<compile_context>
chip_gen: v7x
topology: tpu7x:2x2x1
jax: 0.10.2.dev20260603
libtpu: 0.0.44.dev20260713+nightly
codegen_flags: <defaults>
</compile_context>

<pallas_src>
import functools

import jax
import jax.numpy as jnp
from jax import lax
from jax.experimental import pallas as pl
from jax.experimental.pallas import tpu as pltpu
from jax.experimental.pallas import tpu_sc as plsc

EMBED_DIM = 1152
NUM_TOKENS = 4 * 2048

_info = plsc.get_sparse_core_info()
_NC = _info.num_cores
_NS = _info.num_subcores
_NW = _NC * _NS
_BPW = NUM_TOKENS // _NW
_CH = 32
_NCHUNK = _BPW // _CH
_NBUF = 3
_AHEAD = 2

_mesh = plsc.VectorSubcoreMesh(core_axis_name="c", subcore_axis_name="s")


@functools.partial(
    pl.kernel,
    out_type=jax.ShapeDtypeStruct((NUM_TOKENS, EMBED_DIM), jnp.float32),
    mesh=_mesh,
    scratch_types=[
        pltpu.VMEM((_BPW,), jnp.int32),
        pltpu.VMEM((_NBUF, _CH, EMBED_DIM), jnp.float32),
        pltpu.SemaphoreType.DMA((_NBUF,)),
        pltpu.SemaphoreType.DMA((_NBUF,)),
    ],
)
def _gather_kernel(idx_hbm, table_hbm, out_hbm, idx_v, rows_v, gsem, ssem):
    wid = lax.axis_index("s") * _NC + lax.axis_index("c")
    base = wid * _BPW
    pltpu.sync_copy(idx_hbm.at[pl.ds(base, _BPW)], idx_v)

    def fire_gather(c):
        return pltpu.async_copy(
            table_hbm.at[idx_v.at[pl.ds(c * _CH, _CH)]],
            rows_v.at[c % _NBUF],
            gsem.at[c % _NBUF],
        )

    def fire_store(c):
        return pltpu.async_copy(
            rows_v.at[c % _NBUF],
            out_hbm.at[pl.ds(base + c * _CH, _CH)],
            ssem.at[c % _NBUF],
        )

    gathers = [None] * _NCHUNK
    stores = [None] * _NCHUNK
    for c in range(_AHEAD):
        gathers[c] = fire_gather(c)
    for c in range(_NCHUNK):
        n = c + _AHEAD
        if n < _NCHUNK:
            if n >= _NBUF:
                stores[n - _NBUF].wait()
            gathers[n] = fire_gather(n)
        gathers[c].wait()
        stores[c] = fire_store(c)
    for c in range(_NCHUNK - _NBUF, _NCHUNK):
        stores[c].wait()


@jax.jit
def kernel(token_ids, table):
    flat = token_ids.reshape(-1).astype(jnp.int32)
    out = _gather_kernel(flat, table)
    return out.reshape(token_ids.shape + (table.shape[1],))

# --- scband reference (transcript-rebuilt; emitter-appended) ---
"""Pipeline reference for scband-gemma3-embedder-59365037965324 (READ-ONLY COPY).

The authoritative reference and input builder live on the scoring server;
editing this copy changes nothing except your own understanding.
"""

import jax, jax.numpy as jnp
import numpy as np

VOCAB_SIZE = 262144
EMBED_DIM = 1152

def setup_inputs(seed: int = 0) -> dict:
    key = jax.random.key(seed)
    k1, k2 = jax.random.split(key)
    token_ids = jax.random.randint(k1, (4, 2048), 0, VOCAB_SIZE, dtype=jnp.int64 if jax.config.jax_enable_x64 else jnp.int32)
    # embedding table, initialized like nn.Embedding default (N(0,1))
    table = jax.random.normal(k2, (VOCAB_SIZE, EMBED_DIM), dtype=jnp.float32)
    return {"token_ids": token_ids, "table": table}

def reference(token_ids, table):
    # nn.Embedding forward: plain row gather
    return jnp.take(table, token_ids, axis=0)

if __name__ == "__main__":
    import jax
    _d = setup_inputs()
    print(jax.jit(kernel)(*tuple(_d.values())))

</pallas_src>

<mosaic_0001>
#map = affine_map<(d0, d1) -> (0)>
#map1 = affine_map<(d0, d1) -> (0, 0)>
module attributes {stable_mosaic.version = 14 : i64} {
  func.func @_gather_kernel(%arg0: i32, %arg1: i32, %arg2: memref<8192xi32, #tpu.memory_space<hbm>>, %arg3: memref<262144x1152xf32, #tpu.memory_space<hbm>>, %arg4: memref<8192x1152xf32, #tpu.memory_space<hbm>>, %arg5: memref<256xi32, #tpu.memory_space<vmem>>, %arg6: memref<3x32x1152xf32, #tpu.memory_space<vmem>>, %arg7: memref<3x!tpu.dma_semaphore, #tpu.memory_space<semaphore_mem>>, %arg8: memref<3x!tpu.dma_semaphore, #tpu.memory_space<semaphore_mem>>) attributes {dimension_semantics = [#tpu.dimension_semantics<core_parallel>, #tpu.dimension_semantics<subcore_parallel>], iteration_bounds = array<i64: 2, 16>, scalar_prefetch = 0 : i64, scratch_operands = 4 : i64, tpu.core_type = #tpu.core_type<sc_vector_subcore>, window_params = [{transform_indices = #map}, {transform_indices = #map1}, {transform_indices = #map1}]} {
    %mul3A = arith.constant 2 : i32
    %mul3A_0 = arith.muli %arg1, %mul3A : i32
    %add3A = arith.addi %mul3A_0, %arg0 : i32
    %mul3A_1 = arith.constant 256 : i32
    %mul3A_2 = arith.muli %add3A, %mul3A_1 : i32
    "tpu.region"() ({
      %run_scoped3A = tpu.sem_alloc : memref<!tpu.dma_semaphore, #tpu.memory_space<semaphore_mem>>
      %dma_start3A_481 = tpu.memref_slice %arg2[%mul3A_2] : memref<8192xi32, #tpu.memory_space<hbm>> -> memref<256xi32, #tpu.memory_space<hbm>>
      %dma_start3A_482 = tpu.memref_slice %arg2[%mul3A_2] : memref<8192xi32, #tpu.memory_space<hbm>> -> memref<256xi32, #tpu.memory_space<hbm>>
      tpu.enqueue_dma source(%dma_start3A_482 : memref<256xi32, #tpu.memory_space<hbm>>) target(%arg5 : memref<256xi32, #tpu.memory_space<vmem>>) target_semaphore(%run_scoped3A : memref<!tpu.dma_semaphore, #tpu.memory_space<semaphore_mem>>)
      %dma_wait3A_483 = tpu.memref_slice %arg2[%mul3A_2] : memref<8192xi32, #tpu.memory_space<hbm>> -> memref<256xi32, #tpu.memory_space<hbm>>
      %dma_wait3A_484 = tpu.memref_slice %arg2[%mul3A_2] : memref<8192xi32, #tpu.memory_space<hbm>> -> memref<256xi32, #tpu.memory_space<hbm>>
      tpu.wait_dma2 semaphore(%run_scoped3A : memref<!tpu.dma_semaphore, #tpu.memory_space<semaphore_mem>>) src(%dma_wait3A_484 : memref<256xi32, #tpu.memory_space<hbm>>) dst(%arg5 : memref<256xi32, #tpu.memory_space<vmem>>)
      tpu.yield
    }) : () -> ()
    %dma_start3A = arith.constant 0 : i32
    %dma_start3A_3 = arith.constant 0 : i32
    %dma_start3A_4 = arith.constant 0 : i32
    %dma_start3A_5 = arith.constant 0 : i32
    %dma_start3A_6 = tpu.memref_slice %arg6[%dma_start3A, %dma_start3A_4, %dma_start3A_5] : memref<3x32x1152xf32, #tpu.memory_space<vmem>> -> memref<1x32x1152xf32, #tpu.memory_space<vmem>>
    %dma_start3A_7 = tpu.memref_squeeze %dma_start3A_6 : memref<1x32x1152xf32, #tpu.memory_space<vmem>> -> memref<32x1152xf32, #tpu.memory_space<vmem>>
    %dma_start3A_8 = arith.constant 0 : i32
    %dma_start3A_9 = tpu.memref_slice %arg5[%dma_start3A_8] : memref<256xi32, #tpu.memory_space<vmem>> -> memref<32xi32, #tpu.memory_space<vmem>>
    %dma_start3A_10 = arith.constant 0 : i32
    %dma_start3A_11 = arith.constant 0 : i32
    %dma_start3A_12 = tpu.memref_slice %arg3[%dma_start3A_10, %dma_start3A_11] : memref<262144x1152xf32, #tpu.memory_space<hbm>> -> memref<262144x1152xf32, #tpu.memory_space<hbm>>
    %dma_start3A_13 = tpu.memref_slice %arg7[%dma_start3A_3] : memref<3x!tpu.dma_semaphore, #tpu.memory_space<semaphore_mem>> -> memref<1x!tpu.dma_semaphore, #tpu.memory_space<semaphore_mem>>
    %dma_start3A_14 = tpu.memref_squeeze %dma_start3A_13 : memref<1x!tpu.dma_semaphore, #tpu.memory_space<semaphore_mem>> -> memref<!tpu.dma_semaphore, #tpu.memory_space<semaphore_mem>>
    tpu.enqueue_indirect_dma source(%dma_start3A_12 : memref<262144x1152xf32, #tpu.memory_space<hbm>>) target(%dma_start3A_7 : memref<32x1152xf32, #tpu.memory_space<vmem>>) offsets(%dma_start3A_9 : memref<32xi32, #tpu.memory_space<vmem>>) semaphore(%dma_start3A_14 : memref<!tpu.dma_semaphore, #tpu.memory_space<semaphore_mem>>)
    %dma_start3A_15 = arith.constant 1 : i32
    %dma_start3A_16 = arith.constant 1 : i32
    %dma_start3A_17 = arith.constant 0 : i32
    %dma_start3A_18 = arith.constant 0 : i32
    %dma_start3A_19 = tpu.memref_slice %arg6[%dma_start3A_15, %dma_start3A_17, %dma_start3A_18] : memref<3x32x1152xf32, #tpu.memory_space<vmem>> -> memref<1x32x1152xf32, #tpu.memory_space<vmem>>
    %dma_start3A_20 = tpu.memref_squeeze %dma_start3A_19 : memref<1x32x1152xf32, #tpu.memory_space<vmem>> -> memref<32x1152xf32, #tpu.memory_space<vmem>>
    %dma_start3A_21 = arith.constant 32 : i32
    %dma_start3A_22 = tpu.memref_slice %arg5[%dma_start3A_21] : memref<256xi32, #tpu.memory_space<vmem>> -> memref<32xi32, #tpu.memory_space<vmem>>
    %dma_start3A_23 = arith.constant 0 : i32
    %dma_start3A_24 = arith.constant 0 : i32
    %dma_start3A_25 = tpu.memref_slice %arg3[%dma_start3A_23, %dma_start3A_24] : memref<262144x1152xf32, #tpu.memory_space<hbm>> -> memref<262144x1152xf32, #tpu.memory_space<hbm>>
    %dma_start3A_26 = tpu.memref_slice %arg7[%dma_start3A_16] : memref<3x!tpu.dma_semaphore, #tpu.memory_space<semaphore_mem>> -> memref<1x!tpu.dma_semaphore, #tpu.memory_space<semaphore_mem>>
    %dma_start3A_27 = tpu.memref_squeeze %dma_start3A_26 : memref<1x!tpu.dma_semaphore, #tpu.memory_space<semaphore_mem>> -> memref<!tpu.dma_semaphore, #tpu.memory_space<semaphore_mem>>
    tpu.enqueue_indirect_dma source(%dma_start3A_25 : memref<262144x1152xf32, #tpu.memory_space<hbm>>) target(%dma_start3A_20 : memref<32x1152xf32, #tpu.memory_space<vmem>>) offsets(%dma_start3A_22 : memref<32xi32, #tpu.memory_space<vmem>>) semaphore(%dma_start3A_27 : memref<!tpu.dma_semaphore, #tpu.memory_space<semaphore_mem>>)
    %dma_start3A_28 = arith.constant 2 : i32
    %dma_start3A_29 = arith.constant 2 : i32
    %dma_start3A_30 = arith.constant 0 : i32
    %dma_start3A_31 = arith.constant 0 : i32
    %dma_start3A_32 = tpu.memref_slice %arg6[%dma_start3A_28, %dma_start3A_30, %dma_start3A_31] : memref<3x32x1152xf32, #tpu.memory_space<vmem>> -> memref<1x32x1152xf32, #tpu.memory_space<vmem>>
    %dma_start3A_33 = tpu.memref_squeeze %dma_start3A_32 : memref<1x32x1152xf32, #tpu.memory_space<vmem>> -> memref<32x1152xf32, #tpu.memory_space<vmem>>
    %dma_start3A_34 = arith.constant 64 : i32
    %dma_start3A_35 = tpu.memref_slice %arg5[%dma_start3A_34] : memref<256xi32, #tpu.memory_space<vmem>> -> memref<32xi32, #tpu.memory_space<vmem>>
    %dma_start3A_36 = arith.constant 0 : i32
    %dma_start3A_37 = arith.constant 0 : i32
    %dma_start3A_38 = tpu.memref_slice %arg3[%dma_start3A_36, %dma_start3A_37] : memref<262144x1152xf32, #tpu.memory_space<hbm>> -> memref<262144x1152xf32, #tpu.memory_space<hbm>>
    %dma_start3A_39 = tpu.memref_slice %arg7[%dma_start3A_29] : memref<3x!tpu.dma_semaphore, #tpu.memory_space<semaphore_mem>> -> memref<1x!tpu.dma_semaphore, #tpu.memory_space<semaphore_mem>>
    %dma_start3A_40 = tpu.memref_squeeze %dma_start3A_39 : memref<1x!tpu.dma_semaphore, #tpu.memory_space<semaphore_mem>> -> memref<!tpu.dma_semaphore, #tpu.memory_space<semaphore_mem>>
    tpu.enqueue_indirect_dma source(%dma_start3A_38 : memref<262144x1152xf32, #tpu.memory_space<hbm>>) target(%dma_start3A_33 : memref<32x1152xf32, #tpu.memory_space<vmem>>) offsets(%dma_start3A_35 : memref<32xi32, #tpu.memory_space<vmem>>) semaphore(%dma_start3A_40 : memref<!tpu.dma_semaphore, #tpu.memory_space<semaphore_mem>>)
    %dma_wait3A = arith.constant 0 : i32
    %dma_wait3A_41 = arith.constant 0 : i32
    %dma_wait3A_42 = arith.constant 0 : i32
    %dma_wait3A_43 = arith.constant 0 : i32
    %dma_wait3A_44 = tpu.memref_slice %arg6[%dma_wait3A, %dma_wait3A_42, %dma_wait3A_43] : memref<3x32x1152xf32, #tpu.memory_space<vmem>> -> memref<1x32x1152xf32, #tpu.memory_space<vmem>>
    %dma_wait3A_45 = tpu.memref_squeeze %dma_wait3A_44 : memref<1x32x1152xf32, #tpu.memory_space<vmem>> -> memref<32x1152xf32, #tpu.memory_space<vmem>>
    %dma_wait3A_46 = arith.constant 0 : i32
    %dma_wait3A_47 = tpu.memref_slice %arg5[%dma_wait3A_46] : memref<256xi32, #tpu.memory_space<vmem>> -> memref<32xi32, #tpu.memory_space<vmem>>
    %dma_wait3A_48 = arith.constant 0 : i32
    %dma_wait3A_49 = arith.constant 0 : i32
    %dma_wait3A_50 = tpu.memref_slice %arg3[%dma_wait3A_48, %dma_wait3A_49] : memref<262144x1152xf32, #tpu.memory_space<hbm>> -> memref<262144x1152xf32, #tpu.memory_space<hbm>>
    %dma_wait3A_51 = tpu.memref_slice %arg7[%dma_wait3A_41] : memref<3x!tpu.dma_semaphore, #tpu.memory_space<semaphore_mem>> -> memref<1x!tpu.dma_semaphore, #tpu.memory_space<semaphore_mem>>
    %dma_wait3A_52 = tpu.memref_squeeze %dma_wait3A_51 : memref<1x!tpu.dma_semaphore, #tpu.memory_space<semaphore_mem>> -> memref<!tpu.dma_semaphore, #tpu.memory_space<semaphore_mem>>
    tpu.wait_indirect_dma semaphore(%dma_wait3A_52 : memref<!tpu.dma_semaphore, #tpu.memory_space<semaphore_mem>>) src(%dma_wait3A_50 : memref<262144x1152xf32, #tpu.memory_space<hbm>>) dst(%dma_wait3A_45 : memref<32x1152xf32, #tpu.memory_space<vmem>>)
    %add3A_53 = arith.constant 0 : i32
    %add3A_54 = arith.addi %mul3A_2, %add3A_53 : i32
    %dma_start3A_55 = arith.constant 0 : i32
    %dma_start3A_56 = arith.constant 0 : i32
    %dma_start3A_57 = arith.constant 0 : i32
    %dma_start3A_58 = arith.constant 0 : i32
    %dma_start3A_59 = tpu.memref_slice %arg6[%dma_start3A_55, %dma_start3A_57, %dma_start3A_58] : memref<3x32x1152xf32, #tpu.memory_space<vmem>> -> memref<1x32x1152xf32, #tpu.memory_space<vmem>>
    %dma_start3A_60 = tpu.memref_squeeze %dma_start3A_59 : memref<1x32x1152xf32, #tpu.memory_space<vmem>> -> memref<32x1152xf32, #tpu.memory_space<vmem>>
    %dma_start3A_61 = arith.constant 0 : i32
    %dma_start3A_62 = tpu.memref_slice %arg4[%add3A_54, %dma_start3A_61] : memref<8192x1152xf32, #tpu.memory_space<hbm>> -> memref<32x1152xf32, #tpu.memory_space<hbm>>
    %dma_start3A_63 = tpu.memref_slice %arg8[%dma_start3A_56] : memref<3x!tpu.dma_semaphore, #tpu.memory_space<semaphore_mem>> -> memref<1x!tpu.dma_semaphore, #tpu.memory_space<semaphore_mem>>
    %dma_start3A_64 = tpu.memref_squeeze %dma_start3A_63 : memref<1x!tpu.dma_semaphore, #tpu.memory_space<semaphore_mem>> -> memref<!tpu.dma_semaphore, #tpu.memory_space<semaphore_mem>>
    %dma_start3A_65 = arith.constant 0 : i32
    %dma_start3A_66 = tpu.memref_slice %arg4[%add3A_54, %dma_start3A_65] : memref<8192x1152xf32, #tpu.memory_space<hbm>> -> memref<32x1152xf32, #tpu.memory_space<hbm>>
    %dma_start3A_67 = arith.constant 0 : i32
    %dma_start3A_68 = arith.constant 0 : i32
    %dma_start3A_69 = tpu.memref_slice %arg6[%dma_start3A_55, %dma_start3A_67, %dma_start3A_68] : memref<3x32x1152xf32, #tpu.memory_space<vmem>> -> memref<1x32x1152xf32, #tpu.memory_space<vmem>>
    %dma_start3A_70 = tpu.memref_squeeze %dma_start3A_69 : memref<1x32x1152xf32, #tpu.memory_space<vmem>> -> memref<32x1152xf32, #tpu.memory_space<vmem>>
    tpu.enqueue_dma source(%dma_start3A_70 : memref<32x1152xf32, #tpu.memory_space<vmem>>) target(%dma_start3A_66 : memref<32x1152xf32, #tpu.memory_space<hbm>>) target_semaphore(%dma_start3A_64 : memref<!tpu.dma_semaphore, #tpu.memory_space<semaphore_mem>>)
    %dma_wait3A_71 = arith.constant 0 : i32
    %dma_wait3A_72 = arith.constant 0 : i32
    %dma_wait3A_73 = arith.constant 0 : i32
    %dma_wait3A_74 = arith.constant 0 : i32
    %dma_wait3A_75 = tpu.memref_slice %arg6[%dma_wait3A_71, %dma_wait3A_73, %dma_wait3A_74] : memref<3x32x1152xf32, #tpu.memory_space<vmem>> -> memref<1x32x1152xf32, #tpu.memory_space<vmem>>
    %dma_wait3A_76 = tpu.memref_squeeze %dma_wait3A_75 : memref<1x32x1152xf32, #tpu.memory_space<vmem>> -> memref<32x1152xf32, #tpu.memory_space<vmem>>
    %dma_wait3A_77 = arith.constant 0 : i32
    %dma_wait3A_78 = tpu.memref_slice %arg4[%add3A_54, %dma_wait3A_77] : memref<8192x1152xf32, #tpu.memory_space<hbm>> -> memref<32x1152xf32, #tpu.memory_space<hbm>>
    %dma_wait3A_79 = tpu.memref_slice %arg8[%dma_wait3A_72] : memref<3x!tpu.dma_semaphore, #tpu.memory_space<semaphore_mem>> -> memref<1x!tpu.dma_semaphore, #tpu.memory_space<semaphore_mem>>
    %dma_wait3A_80 = tpu.memref_squeeze %dma_wait3A_79 : memref<1x!tpu.dma_semaphore, #tpu.memory_space<semaphore_mem>> -> memref<!tpu.dma_semaphore, #tpu.memory_space<semaphore_mem>>
    %dma_wait3A_81 = arith.constant 0 : i32
    %dma_wait3A_82 = tpu.memref_slice %arg4[%add3A_54, %dma_wait3A_81] : memref<8192x1152xf32, #tpu.memory_space<hbm>> -> memref<32x1152xf32, #tpu.memory_space<hbm>>
    %dma_wait3A_83 = arith.constant 0 : i32
    %dma_wait3A_84 = arith.constant 0 : i32
    %dma_wait3A_85 = tpu.memref_slice %arg6[%dma_wait3A_71, %dma_wait3A_83, %dma_wait3A_84] : memref<3x32x1152xf32, #tpu.memory_space<vmem>> -> memref<1x32x1152xf32, #tpu.memory_space<vmem>>
    %dma_wait3A_86 = tpu.memref_squeeze %dma_wait3A_85 : memref<1x32x1152xf32, #tpu.memory_space<vmem>> -> memref<32x1152xf32, #tpu.memory_space<vmem>>
    tpu.wait_dma2 semaphore(%dma_wait3A_80 : memref<!tpu.dma_semaphore, #tpu.memory_space<semaphore_mem>>) src(%dma_wait3A_86 : memref<32x1152xf32, #tpu.memory_space<vmem>>) dst(%dma_wait3A_82 : memref<32x1152xf32, #tpu.memory_space<hbm>>)
    %dma_start3A_87 = arith.constant 0 : i32
    %dma_start3A_88 = arith.constant 0 : i32
    %dma_start3A_89 = arith.constant 0 : i32
    %dma_start3A_90 = arith.constant 0 : i32
    %dma_start3A_91 = tpu.memref_slice %arg6[%dma_start3A_87, %dma_start3A_89, %dma_start3A_90] : memref<3x32x1152xf32, #tpu.memory_space<vmem>> -> memref<1x32x1152xf32, #tpu.memory_space<vmem>>
    %dma_start3A_92 = tpu.memref_squeeze %dma_start3A_91 : memref<1x32x1152xf32, #tpu.memory_space<vmem>> -> memref<32x1152xf32, #tpu.memory_space<vmem>>
    %dma_start3A_93 = arith.constant 96 : i32
    %dma_start3A_94 = tpu.memref_slice %arg5[%dma_start3A_93] : memref<256xi32, #tpu.memory_space<vmem>> -> memref<32xi32, #tpu.memory_space<vmem>>
    %dma_start3A_95 = arith.constant 0 : i32
    %dma_start3A_96 = arith.constant 0 : i32
    %dma_start3A_97 = tpu.memref_slice %arg3[%dma_start3A_95, %dma_start3A_96] : memref<262144x1152xf32, #tpu.memory_space<hbm>> -> memref<262144x1152xf32, #tpu.memory_space<hbm>>
    %dma_start3A_98 = tpu.memref_slice %arg7[%dma_start3A_88] : memref<3x!tpu.dma_semaphore, #tpu.memory_space<semaphore_mem>> -> memref<1x!tpu.dma_semaphore, #tpu.memory_space<semaphore_mem>>
    %dma_start3A_99 = tpu.memref_squeeze %dma_start3A_98 : memref<1x!tpu.dma_semaphore, #tpu.memory_space<semaphore_mem>> -> memref<!tpu.dma_semaphore, #tpu.memory_space<semaphore_mem>>
    tpu.enqueue_indirect_dma source(%dma_start3A_97 : memref<262144x1152xf32, #tpu.memory_space<hbm>>) target(%dma_start3A_92 : memref<32x1152xf32, #tpu.memory_space<vmem>>) offsets(%dma_start3A_94 : memref<32xi32, #tpu.memory_space<vmem>>) semaphore(%dma_start3A_99 : memref<!tpu.dma_semaphore, #tpu.memory_space<semaphore_mem>>)
    %dma_wait3A_100 = arith.constant 1 : i32
    %dma_wait3A_101 = arith.constant 1 : i32
    %dma_wait3A_102 = arith.constant 0 : i32
    %dma_wait3A_103 = arith.constant 0 : i32
    %dma_wait3A_104 = tpu.memref_slice %arg6[%dma_wait3A_100, %dma_wait3A_102, %dma_wait3A_103] : memref<3x32x1152xf32, #tpu.memory_space<vmem>> -> memref<1x32x1152xf32, #tpu.memory_space<vmem>>
    %dma_wait3A_105 = tpu.memref_squeeze %dma_wait3A_104 : memref<1x32x1152xf32, #tpu.memory_space<vmem>> -> memref<32x1152xf32, #tpu.memory_space<vmem>>
    %dma_wait3A_106 = arith.constant 32 : i32
    %dma_wait3A_107 = tpu.memref_slice %arg5[%dma_wait3A_106] : memref<256xi32, #tpu.memory_space<vmem>> -> memref<32xi32, #tpu.memory_space<vmem>>
    %dma_wait3A_108 = arith.constant 0 : i32
    %dma_wait3A_109 = arith.constant 0 : i32
    %dma_wait3A_110 = tpu.memref_slice %arg3[%dma_wait3A_108, %dma_wait3A_109] : memref<262144x1152xf32, #tpu.memory_space<hbm>> -> memref<262144x1152xf32, #tpu.memory_space<hbm>>
    %dma_wait3A_111 = tpu.memref_slice %arg7[%dma_wait3A_101] : memref<3x!tpu.dma_semaphore, #tpu.memory_space<semaphore_mem>> -> memref<1x!tpu.dma_semaphore, #tpu.memory_space<semaphore_mem>>
    %dma_wait3A_112 = tpu.memref_squeeze %dma_wait3A_111 : memref<1x!tpu.dma_semaphore, #tpu.memory_space<semaphore_mem>> -> memref<!tpu.dma_semaphore, #tpu.memory_space<semaphore_mem>>
    tpu.wait_indirect_dma semaphore(%dma_wait3A_112 : memref<!tpu.dma_semaphore, #tpu.memory_space<semaphore_mem>>) src(%dma_wait3A_110 : memref<262144x1152xf32, #tpu.memory_space<hbm>>) dst(%dma_wait3A_105 : memref<32x1152xf32, #tpu.memory_space<vmem>>)
    %add3A_113 = arith.constant 32 : i32
    %add3A_114 = arith.addi %mul3A_2, %add3A_113 : i32
    %dma_start3A_115 = arith.constant 1 : i32
    %dma_start3A_116 = arith.constant 1 : i32
    %dma_start3A_117 = arith.constant 0 : i32
    %dma_start3A_118 = arith.constant 0 : i32
    %dma_start3A_119 = tpu.memref_slice %arg6[%dma_start3A_115, %dma_start3A_117, %dma_start3A_118] : memref<3x32x1152xf32, #tpu.memory_space<vmem>> -> memref<1x32x1152xf32, #tpu.memory_space<vmem>>
    %dma_start3A_120 = tpu.memref_squeeze %dma_start3A_119 : memref<1x32x1152xf32, #tpu.memory_space<vmem>> -> memref<32x1152xf32, #tpu.memory_space<vmem>>
    %dma_start3A_121 = arith.constant 0 : i32
    %dma_start3A_122 = tpu.memref_slice %arg4[%add3A_114, %dma_start3A_121] : memref<8192x1152xf32, #tpu.memory_space<hbm>> -> memref<32x1152xf32, #tpu.memory_space<hbm>>
    %dma_start3A_123 = tpu.memref_slice %arg8[%dma_start3A_116] : memref<3x!tpu.dma_semaphore, #tpu.memory_space<semaphore_mem>> -> memref<1x!tpu.dma_semaphore, #tpu.memory_space<semaphore_mem>>
    %dma_start3A_124 = tpu.memref_squeeze %dma_start3A_123 : memref<1x!tpu.dma_semaphore, #tpu.memory_space<semaphore_mem>> -> memref<!tpu.dma_semaphore, #tpu.memory_space<semaphore_mem>>
    %dma_start3A_125 = arith.constant 0 : i32
    %dma_start3A_126 = tpu.memref_slice %arg4[%add3A_114, %dma_start3A_125] : memref<8192x1152xf32, #tpu.memory_space<hbm>> -> memref<32x1152xf32, #tpu.memory_space<hbm>>
    %dma_start3A_127 = arith.constant 0 : i32
    %dma_start3A_128 = arith.constant 0 : i32
    %dma_start3A_129 = tpu.memref_slice %arg6[%dma_start3A_115, %dma_start3A_127, %dma_start3A_128] : memref<3x32x1152xf32, #tpu.memory_space<vmem>> -> memref<1x32x1152xf32, #tpu.memory_space<vmem>>
    %dma_start3A_130 = tpu.memref_squeeze %dma_start3A_129 : memref<1x32x1152xf32, #tpu.memory_space<vmem>> -> memref<32x1152xf32, #tpu.memory_space<vmem>>
    tpu.enqueue_dma source(%dma_start3A_130 : memref<32x1152xf32, #tpu.memory_space<vmem>>) target(%dma_start3A_126 : memref<32x1152xf32, #tpu.memory_space<hbm>>) target_semaphore(%dma_start3A_124 : memref<!tpu.dma_semaphore, #tpu.memory_space<semaphore_mem>>)
    %dma_wait3A_131 = arith.constant 1 : i32
    %dma_wait3A_132 = arith.constant 1 : i32
    %dma_wait3A_133 = arith.constant 0 : i32
    %dma_wait3A_134 = arith.constant 0 : i32
    %dma_wait3A_135 = tpu.memref_slice %arg6[%dma_wait3A_131, %dma_wait3A_133, %dma_wait3A_134] : memref<3x32x1152xf32, #tpu.memory_space<vmem>> -> memref<1x32x1152xf32, #tpu.memory_space<vmem>>
    %dma_wait3A_136 = tpu.memref_squeeze %dma_wait3A_135 : memref<1x32x1152xf32, #tpu.memory_space<vmem>> -> memref<32x1152xf32, #tpu.memory_space<vmem>>
    %dma_wait3A_137 = arith.constant 0 : i32
    %dma_wait3A_138 = tpu.memref_slice %arg4[%add3A_114, %dma_wait3A_137] : memref<8192x1152xf32, #tpu.memory_space<hbm>> -> memref<32x1152xf32, #tpu.memory_space<hbm>>
    %dma_wait3A_139 = tpu.memref_slice %arg8[%dma_wait3A_132] : memref<3x!tpu.dma_semaphore, #tpu.memory_space<semaphore_mem>> -> memref<1x!tpu.dma_semaphore, #tpu.memory_space<semaphore_mem>>
    %dma_wait3A_140 = tpu.memref_squeeze %dma_wait3A_139 : memref<1x!tpu.dma_semaphore, #tpu.memory_space<semaphore_mem>> -> memref<!tpu.dma_semaphore, #tpu.memory_space<semaphore_mem>>
    %dma_wait3A_141 = arith.constant 0 : i32
    %dma_wait3A_142 = tpu.memref_slice %arg4[%add3A_114, %dma_wait3A_141] : memref<8192x1152xf32, #tpu.memory_space<hbm>> -> memref<32x1152xf32, #tpu.memory_space<hbm>>
    %dma_wait3A_143 = arith.constant 0 : i32
    %dma_wait3A_144 = arith.constant 0 : i32
    %dma_wait3A_145 = tpu.memref_slice %arg6[%dma_wait3A_131, %dma_wait3A_143, %dma_wait3A_144] : memref<3x32x1152xf32, #tpu.memory_space<vmem>> -> memref<1x32x1152xf32, #tpu.memory_space<vmem>>
    %dma_wait3A_146 = tpu.memref_squeeze %dma_wait3A_145 : memref<1x32x1152xf32, #tpu.memory_space<vmem>> -> memref<32x1152xf32, #tpu.memory_space<vmem>>
    tpu.wait_dma2 semaphore(%dma_wait3A_140 : memref<!tpu.dma_semaphore, #tpu.memory_space<semaphore_mem>>) src(%dma_wait3A_146 : memref<32x1152xf32, #tpu.memory_space<vmem>>) dst(%dma_wait3A_142 : memref<32x1152xf32, #tpu.memory_space<hbm>>)
    %dma_start3A_147 = arith.constant 1 : i32
    %dma_start3A_148 = arith.constant 1 : i32
    %dma_start3A_149 = arith.constant 0 : i32
    %dma_start3A_150 = arith.constant 0 : i32
    %dma_start3A_151 = tpu.memref_slice %arg6[%dma_start3A_147, %dma_start3A_149, %dma_start3A_150] : memref<3x32x1152xf32, #tpu.memory_space<vmem>> -> memref<1x32x1152xf32, #tpu.memory_space<vmem>>
    %dma_start3A_152 = tpu.memref_squeeze %dma_start3A_151 : memref<1x32x1152xf32, #tpu.memory_space<vmem>> -> memref<32x1152xf32, #tpu.memory_space<vmem>>
    %dma_start3A_153 = arith.constant 128 : i32
    %dma_start3A_154 = tpu.memref_slice %arg5[%dma_start3A_153] : memref<256xi32, #tpu.memory_space<vmem>> -> memref<32xi32, #tpu.memory_space<vmem>>
    %dma_start3A_155 = arith.constant 0 : i32
    %dma_start3A_156 = arith.constant 0 : i32
    %dma_start3A_157 = tpu.memref_slice %arg3[%dma_start3A_155, %dma_start3A_156] : memref<262144x1152xf32, #tpu.memory_space<hbm>> -> memref<262144x1152xf32, #tpu.memory_space<hbm>>
    %dma_start3A_158 = tpu.memref_slice %arg7[%dma_start3A_148] : memref<3x!tpu.dma_semaphore, #tpu.memory_space<semaphore_mem>> -> memref<1x!tpu.dma_semaphore, #tpu.memory_space<semaphore_mem>>
    %dma_start3A_159 = tpu.memref_squeeze %dma_start3A_158 : memref<1x!tpu.dma_semaphore, #tpu.memory_space<semaphore_mem>> -> memref<!tpu.dma_semaphore, #tpu.memory_space<semaphore_mem>>
    tpu.enqueue_indirect_dma source(%dma_start3A_157 : memref<262144x1152xf32, #tpu.memory_space<hbm>>) target(%dma_start3A_152 : memref<32x1152xf32, #tpu.memory_space<vmem>>) offsets(%dma_start3A_154 : memref<32xi32, #tpu.memory_space<vmem>>) semaphore(%dma_start3A_159 : memref<!tpu.dma_semaphore, #tpu.memory_space<semaphore_mem>>)
    %dma_wait3A_160 = arith.constant 2 : i32
    %dma_wait3A_161 = arith.constant 2 : i32
    %dma_wait3A_162 = arith.constant 0 : i32
    %dma_wait3A_163 = arith.constant 0 : i32
    %dma_wait3A_164 = tpu.memref_slice %arg6[%dma_wait3A_160, %dma_wait3A_162, %dma_wait3A_163] : memref<3x32x1152xf32, #tpu.memory_space<vmem>> -> memref<1x32x1152xf32, #tpu.memory_space<vmem>>
    %dma_wait3A_165 = tpu.memref_squeeze %dma_wait3A_164 : memref<1x32x1152xf32, #tpu.memory_space<vmem>> -> memref<32x1152xf32, #tpu.memory_space<vmem>>
    %dma_wait3A_166 = arith.constant 64 : i32
    %dma_wait3A_167 = tpu.memref_slice %arg5[%dma_wait3A_166] : memref<256xi32, #tpu.memory_space<vmem>> -> memref<32xi32, #tpu.memory_space<vmem>>
    %dma_wait3A_168 = arith.constant 0 : i32
    %dma_wait3A_169 = arith.constant 0 : i32
    %dma_wait3A_170 = tpu.memref_slice %arg3[%dma_wait3A_168, %dma_wait3A_169] : memref<262144x1152xf32, #tpu.memory_space<hbm>> -> memref<262144x1152xf32, #tpu.memory_space<hbm>>
    %dma_wait3A_171 = tpu.memref_slice %arg7[%dma_wait3A_161] : memref<3x!tpu.dma_semaphore, #tpu.memory_space<semaphore_mem>> -> memref<1x!tpu.dma_semaphore, #tpu.memory_space<semaphore_mem>>
    %dma_wait3A_172 = tpu.memref_squeeze %dma_wait3A_171 : memref<1x!tpu.dma_semaphore, #tpu.memory_space<semaphore_mem>> -> memref<!tpu.dma_semaphore, #tpu.memory_space<semaphore_mem>>
    tpu.wait_indirect_dma semaphore(%dma_wait3A_172 : memref<!tpu.dma_semaphore, #tpu.memory_space<semaphore_mem>>) src(%dma_wait3A_170 : memref<262144x1152xf32, #tpu.memory_space<hbm>>) dst(%dma_wait3A_165 : memref<32x1152xf32, #tpu.memory_space<vmem>>)
    %add3A_173 = arith.constant 64 : i32
    %add3A_174 = arith.addi %mul3A_2, %add3A_173 : i32
    %dma_start3A_175 = arith.constant 2 : i32
    %dma_start3A_176 = arith.constant 2 : i32
    %dma_start3A_177 = arith.constant 0 : i32
    %dma_start3A_178 = arith.constant 0 : i32
    %dma_start3A_179 = tpu.memref_slice %arg6[%dma_start3A_175, %dma_start3A_177, %dma_start3A_178] : memref<3x32x1152xf32, #tpu.memory_space<vmem>> -> memref<1x32x1152xf32, #tpu.memory_space<vmem>>
    %dma_start3A_180 = tpu.memref_squeeze %dma_start3A_179 : memref<1x32x1152xf32, #tpu.memory_space<vmem>> -> memref<32x1152xf32, #tpu.memory_space<vmem>>
    %dma_start3A_181 = arith.constant 0 : i32
    %dma_start3A_182 = tpu.memref_slice %arg4[%add3A_174, %dma_start3A_181] : memref<8192x1152xf32, #tpu.memory_space<hbm>> -> memref<32x1152xf32, #tpu.memory_space<hbm>>
    %dma_start3A_183 = tpu.memref_slice %arg8[%dma_start3A_176] : memref<3x!tpu.dma_semaphore, #tpu.memory_space<semaphore_mem>> -> memref<1x!tpu.dma_semaphore, #tpu.memory_space<semaphore_mem>>
    %dma_start3A_184 = tpu.memref_squeeze %dma_start3A_183 : memref<1x!tpu.dma_semaphore, #tpu.memory_space<semaphore_mem>> -> memref<!tpu.dma_semaphore, #tpu.memory_space<semaphore_mem>>
    %dma_start3A_185 = arith.constant 0 : i32
    %dma_start3A_186 = tpu.memref_slice %arg4[%add3A_174, %dma_start3A_185] : memref<8192x1152xf32, #tpu.memory_space<hbm>> -> memref<32x1152xf32, #tpu.memory_space<hbm>>
    %dma_start3A_187 = arith.constant 0 : i32
    %dma_start3A_188 = arith.constant 0 : i32
    %dma_start3A_189 = tpu.memref_slice %arg6[%dma_start3A_175, %dma_start3A_187, %dma_start3A_188] : memref<3x32x1152xf32, #tpu.memory_space<vmem>> -> memref<1x32x1152xf32, #tpu.memory_space<vmem>>
    %dma_start3A_190 = tpu.memref_squeeze %dma_start3A_189 : memref<1x32x1152xf32, #tpu.memory_space<vmem>> -> memref<32x1152xf32, #tpu.memory_space<vmem>>
    tpu.enqueue_dma source(%dma_start3A_190 : memref<32x1152xf32, #tpu.memory_space<vmem>>) target(%dma_start3A_186 : memref<32x1152xf32, #tpu.memory_space<hbm>>) target_semaphore(%dma_start3A_184 : memref<!tpu.dma_semaphore, #tpu.memory_space<semaphore_mem>>)
    %dma_wait3A_191 = arith.constant 2 : i32
    %dma_wait3A_192 = arith.constant 2 : i32
    %dma_wait3A_193 = arith.constant 0 : i32
    %dma_wait3A_194 = arith.constant 0 : i32
    %dma_wait3A_195 = tpu.memref_slice %arg6[%dma_wait3A_191, %dma_wait3A_193, %dma_wait3A_194] : memref<3x32x1152xf32, #tpu.memory_space<vmem>> -> memref<1x32x1152xf32, #tpu.memory_space<vmem>>
    %dma_wait3A_196 = tpu.memref_squeeze %dma_wait3A_195 : memref<1x32x1152xf32, #tpu.memory_space<vmem>> -> memref<32x1152xf32, #tpu.memory_space<vmem>>
    %dma_wait3A_197 = arith.constant 0 : i32
    %dma_wait3A_198 = tpu.memref_slice %arg4[%add3A_174, %dma_wait3A_197] : memref<8192x1152xf32, #tpu.memory_space<hbm>> -> memref<32x1152xf32, #tpu.memory_space<hbm>>
    %dma_wait3A_199 = tpu.memref_slice %arg8[%dma_wait3A_192] : memref<3x!tpu.dma_semaphore, #tpu.memory_space<semaphore_mem>> -> memref<1x!tpu.dma_semaphore, #tpu.memory_space<semaphore_mem>>
    %dma_wait3A_200 = tpu.memref_squeeze %dma_wait3A_199 : memref<1x!tpu.dma_semaphore, #tpu.memory_space<semaphore_mem>> -> memref<!tpu.dma_semaphore, #tpu.memory_space<semaphore_mem>>
    %dma_wait3A_201 = arith.constant 0 : i32
    %dma_wait3A_202 = tpu.memref_slice %arg4[%add3A_174, %dma_wait3A_201] : memref<8192x1152xf32, #tpu.memory_space<hbm>> -> memref<32x1152xf32, #tpu.memory_space<hbm>>
    %dma_wait3A_203 = arith.constant 0 : i32
    %dma_wait3A_204 = arith.constant 0 : i32
    %dma_wait3A_205 = tpu.memref_slice %arg6[%dma_wait3A_191, %dma_wait3A_203, %dma_wait3A_204] : memref<3x32x1152xf32, #tpu.memory_space<vmem>> -> memref<1x32x1152xf32, #tpu.memory_space<vmem>>
    %dma_wait3A_206 = tpu.memref_squeeze %dma_wait3A_205 : memref<1x32x1152xf32, #tpu.memory_space<vmem>> -> memref<32x1152xf32, #tpu.memory_space<vmem>>
    tpu.wait_dma2 semaphore(%dma_wait3A_200 : memref<!tpu.dma_semaphore, #tpu.memory_space<semaphore_mem>>) src(%dma_wait3A_206 : memref<32x1152xf32, #tpu.memory_space<vmem>>) dst(%dma_wait3A_202 : memref<32x1152xf32, #tpu.memory_space<hbm>>)
    %dma_start3A_207 = arith.constant 2 : i32
    %dma_start3A_208 = arith.constant 2 : i32
    %dma_start3A_209 = arith.constant 0 : i32
    %dma_start3A_210 = arith.constant 0 : i32
    %dma_start3A_211 = tpu.memref_slice %arg6[%dma_start3A_207, %dma_start3A_209, %dma_start3A_210] : memref<3x32x1152xf32, #tpu.memory_space<vmem>> -> memref<1x32x1152xf32, #tpu.memory_space<vmem>>
    %dma_start3A_212 = tpu.memref_squeeze %dma_start3A_211 : memref<1x32x1152xf32, #tpu.memory_space<vmem>> -> memref<32x1152xf32, #tpu.memory_space<vmem>>
    %dma_start3A_213 = arith.constant 160 : i32
    %dma_start3A_214 = tpu.memref_slice %arg5[%dma_start3A_213] : memref<256xi32, #tpu.memory_space<vmem>> -> memref<32xi32, #tpu.memory_space<vmem>>
    %dma_start3A_215 = arith.constant 0 : i32
    %dma_start3A_216 = arith.constant 0 : i32
    %dma_start3A_217 = tpu.memref_slice %arg3[%dma_start3A_215, %dma_start3A_216] : memref<262144x1152xf32, #tpu.memory_space<hbm>> -> memref<262144x1152xf32, #tpu.memory_space<hbm>>
    %dma_start3A_218 = tpu.memref_slice %arg7[%dma_start3A_208] : memref<3x!tpu.dma_semaphore, #tpu.memory_space<semaphore_mem>> -> memref<1x!tpu.dma_semaphore, #tpu.memory_space<semaphore_mem>>
    %dma_start3A_219 = tpu.memref_squeeze %dma_start3A_218 : memref<1x!tpu.dma_semaphore, #tpu.memory_space<semaphore_mem>> -> memref<!tpu.dma_semaphore, #tpu.memory_space<semaphore_mem>>
    tpu.enqueue_indirect_dma source(%dma_start3A_217 : memref<262144x1152xf32, #tpu.memory_space<hbm>>) target(%dma_start3A_212 : memref<32x1152xf32, #tpu.memory_space<vmem>>) offsets(%dma_start3A_214 : memref<32xi32, #tpu.memory_space<vmem>>) semaphore(%dma_start3A_219 : memref<!tpu.dma_semaphore, #tpu.memory_space<semaphore_mem>>)
    %dma_wait3A_220 = arith.constant 0 : i32
    %dma_wait3A_221 = arith.constant 0 : i32
    %dma_wait3A_222 = arith.constant 0 : i32
    %dma_wait3A_223 = arith.constant 0 : i32
    %dma_wait3A_224 = tpu.memref_slice %arg6[%dma_wait3A_220, %dma_wait3A_222, %dma_wait3A_223] : memref<3x32x1152xf32, #tpu.memory_space<vmem>> -> memref<1x32x1152xf32, #tpu.memory_space<vmem>>
    %dma_wait3A_225 = tpu.memref_squeeze %dma_wait3A_224 : memref<1x32x1152xf32, #tpu.memory_space<vmem>> -> memref<32x1152xf32, #tpu.memory_space<vmem>>
    %dma_wait3A_226 = arith.constant 96 : i32
    %dma_wait3A_227 = tpu.memref_slice %arg5[%dma_wait3A_226] : memref<256xi32, #tpu.memory_space<vmem>> -> memref<32xi32, #tpu.memory_space<vmem>>
    %dma_wait3A_228 = arith.constant 0 : i32
    %dma_wait3A_229 = arith.constant 0 : i32
    %dma_wait3A_230 = tpu.memref_slice %arg3[%dma_wait3A_228, %dma_wait3A_229] : memref<262144x1152xf32, #tpu.memory_space<hbm>> -> memref<262144x1152xf32, #tpu.memory_space<hbm>>
    %dma_wait3A_231 = tpu.memref_slice %arg7[%dma_wait3A_221] : memref<3x!tpu.dma_semaphore, #tpu.memory_space<semaphore_mem>> -> memref<1x!tpu.dma_semaphore, #tpu.memory_space<semaphore_mem>>
    %dma_wait3A_232 = tpu.memref_squeeze %dma_wait3A_231 : memref<1x!tpu.dma_semaphore, #tpu.memory_space<semaphore_mem>> -> memref<!tpu.dma_semaphore, #tpu.memory_space<semaphore_mem>>
    tpu.wait_indirect_dma semaphore(%dma_wait3A_232 : memref<!tpu.dma_semaphore, #tpu.memory_space<semaphore_mem>>) src(%dma_wait3A_230 : memref<262144x1152xf32, #tpu.memory_space<hbm>>) dst(%dma_wait3A_225 : memref<32x1152xf32, #tpu.memory_space<vmem>>)
    %add3A_233 = arith.constant 96 : i32
    %add3A_234 = arith.addi %mul3A_2, %add3A_233 : i32
    %dma_start3A_235 = arith.constant 0 : i32
    %dma_start3A_236 = arith.constant 0 : i32
    %dma_start3A_237 = arith.constant 0 : i32
    %dma_start3A_238 = arith.constant 0 : i32
    %dma_start3A_239 = tpu.memref_slice %arg6[%dma_start3A_235, %dma_start3A_237, %dma_start3A_238] : memref<3x32x1152xf32, #tpu.memory_space<vmem>> -> memref<1x32x1152xf32, #tpu.memory_space<vmem>>
    %dma_start3A_240 = tpu.memref_squeeze %dma_start3A_239 : memref<1x32x1152xf32, #tpu.memory_space<vmem>> -> memref<32x1152xf32, #tpu.memory_space<vmem>>
    %dma_start3A_241 = arith.constant 0 : i32
    %dma_start3A_242 = tpu.memref_slice %arg4[%add3A_234, %dma_start3A_241] : memref<8192x1152xf32, #tpu.memory_space<hbm>> -> memref<32x1152xf32, #tpu.memory_space<hbm>>
    %dma_start3A_243 = tpu.memref_slice %arg8[%dma_start3A_236] : memref<3x!tpu.dma_semaphore, #tpu.memory_space<semaphore_mem>> -> memref<1x!tpu.dma_semaphore, #tpu.memory_space<semaphore_mem>>
    %dma_start3A_244 = tpu.memref_squeeze %dma_start3A_243 : memref<1x!tpu.dma_semaphore, #tpu.memory_space<semaphore_mem>> -> memref<!tpu.dma_semaphore, #tpu.memory_space<semaphore_mem>>
    %dma_start3A_245 = arith.constant 0 : i32
    %dma_start3A_246 = tpu.memref_slice %arg4[%add3A_234, %dma_start3A_245] : memref<8192x1152xf32, #tpu.memory_space<hbm>> -> memref<32x1152xf32, #tpu.memory_space<hbm>>
    %dma_start3A_247 = arith.constant 0 : i32
    %dma_start3A_248 = arith.constant 0 : i32
    %dma_start3A_249 = tpu.memref_slice %arg6[%dma_start3A_235, %dma_start3A_247, %dma_start3A_248] : memref<3x32x1152xf32, #tpu.memory_space<vmem>> -> memref<1x32x1152xf32, #tpu.memory_space<vmem>>
    %dma_start3A_250 = tpu.memref_squeeze %dma_start3A_249 : memref<1x32x1152xf32, #tpu.memory_space<vmem>> -> memref<32x1152xf32, #tpu.memory_space<vmem>>
    tpu.enqueue_dma source(%dma_start3A_250 : memref<32x1152xf32, #tpu.memory_space<vmem>>) target(%dma_start3A_246 : memref<32x1152xf32, #tpu.memory_space<hbm>>) target_semaphore(%dma_start3A_244 : memref<!tpu.dma_semaphore, #tpu.memory_space<semaphore_mem>>)
    %dma_wait3A_251 = arith.constant 0 : i32
    %dma_wait3A_252 = arith.constant 0 : i32
    %dma_wait3A_253 = arith.constant 0 : i32
    %dma_wait3A_254 = arith.constant 0 : i32
    %dma_wait3A_255 = tpu.memref_slice %arg6[%dma_wait3A_251, %dma_wait3A_253, %dma_wait3A_254] : memref<3x32x1152xf32, #tpu.memory_space<vmem>> -> memref<1x32x1152xf32, #tpu.memory_space<vmem>>
    %dma_wait3A_256 = tpu.memref_squeeze %dma_wait3A_255 : memref<1x32x1152xf32, #tpu.memory_space<vmem>> -> memref<32x1152xf32, #tpu.memory_space<vmem>>
    %dma_wait3A_257 = arith.constant 0 : i32
    %dma_wait3A_258 = tpu.memref_slice %arg4[%add3A_234, %dma_wait3A_257] : memref<8192x1152xf32, #tpu.memory_space<hbm>> -> memref<32x1152xf32, #tpu.memory_space<hbm>>
    %dma_wait3A_259 = tpu.memref_slice %arg8[%dma_wait3A_252] : memref<3x!tpu.dma_semaphore, #tpu.memory_space<semaphore_mem>> -> memref<1x!tpu.dma_semaphore, #tpu.memory_space<semaphore_mem>>
    %dma_wait3A_260 = tpu.memref_squeeze %dma_wait3A_259 : memref<1x!tpu.dma_semaphore, #tpu.memory_space<semaphore_mem>> -> memref<!tpu.dma_semaphore, #tpu.memory_space<semaphore_mem>>
    %dma_wait3A_261 = arith.constant 0 : i32
    %dma_wait3A_262 = tpu.memref_slice %arg4[%add3A_234, %dma_wait3A_261] : memref<8192x1152xf32, #tpu.memory_space<hbm>> -> memref<32x1152xf32, #tpu.memory_space<hbm>>
    %dma_wait3A_263 = arith.constant 0 : i32
    %dma_wait3A_264 = arith.constant 0 : i32
    %dma_wait3A_265 = tpu.memref_slice %arg6[%dma_wait3A_251, %dma_wait3A_263, %dma_wait3A_264] : memref<3x32x1152xf32, #tpu.memory_space<vmem>> -> memref<1x32x1152xf32, #tpu.memory_space<vmem>>
    %dma_wait3A_266 = tpu.memref_squeeze %dma_wait3A_265 : memref<1x32x1152xf32, #tpu.memory_space<vmem>> -> memref<32x1152xf32, #tpu.memory_space<vmem>>
    tpu.wait_dma2 semaphore(%dma_wait3A_260 : memref<!tpu.dma_semaphore, #tpu.memory_space<semaphore_mem>>) src(%dma_wait3A_266 : memref<32x1152xf32, #tpu.memory_space<vmem>>) dst(%dma_wait3A_262 : memref<32x1152xf32, #tpu.memory_space<hbm>>)
    %dma_start3A_267 = arith.constant 0 : i32
    %dma_start3A_268 = arith.constant 0 : i32
    %dma_start3A_269 = arith.constant 0 : i32
    %dma_start3A_270 = arith.constant 0 : i32
    %dma_start3A_271 = tpu.memref_slice %arg6[%dma_start3A_267, %dma_start3A_269, %dma_start3A_270] : memref<3x32x1152xf32, #tpu.memory_space<vmem>> -> memref<1x32x1152xf32, #tpu.memory_space<vmem>>
    %dma_start3A_272 = tpu.memref_squeeze %dma_start3A_271 : memref<1x32x1152xf32, #tpu.memory_space<vmem>> -> memref<32x1152xf32, #tpu.memory_space<vmem>>
    %dma_start3A_273 = arith.constant 192 : i32
    %dma_start3A_274 = tpu.memref_slice %arg5[%dma_start3A_273] : memref<256xi32, #tpu.memory_space<vmem>> -> memref<32xi32, #tpu.memory_space<vmem>>
    %dma_start3A_275 = arith.constant 0 : i32
    %dma_start3A_276 = arith.constant 0 : i32
    %dma_start3A_277 = tpu.memref_slice %arg3[%dma_start3A_275, %dma_start3A_276] : memref<262144x1152xf32, #tpu.memory_space<hbm>> -> memref<262144x1152xf32, #tpu.memory_space<hbm>>
    %dma_start3A_278 = tpu.memref_slice %arg7[%dma_start3A_268] : memref<3x!tpu.dma_semaphore, #tpu.memory_space<semaphore_mem>> -> memref<1x!tpu.dma_semaphore, #tpu.memory_space<semaphore_mem>>
    %dma_start3A_279 = tpu.memref_squeeze %dma_start3A_278 : memref<1x!tpu.dma_semaphore, #tpu.memory_space<semaphore_mem>> -> memref<!tpu.dma_semaphore, #tpu.memory_space<semaphore_mem>>
    tpu.enqueue_indirect_dma source(%dma_start3A_277 : memref<262144x1152xf32, #tpu.memory_space<hbm>>) target(%dma_start3A_272 : memref<32x1152xf32, #tpu.memory_space<vmem>>) offsets(%dma_start3A_274 : memref<32xi32, #tpu.memory_space<vmem>>) semaphore(%dma_start3A_279 : memref<!tpu.dma_semaphore, #tpu.memory_space<semaphore_mem>>)
    %dma_wait3A_280 = arith.constant 1 : i32
    %dma_wait3A_281 = arith.constant 1 : i32
    %dma_wait3A_282 = arith.constant 0 : i32
    %dma_wait3A_283 = arith.constant 0 : i32
    %dma_wait3A_284 = tpu.memref_slice %arg6[%dma_wait3A_280, %dma_wait3A_282, %dma_wait3A_283] : memref<3x32x1152xf32, #tpu.memory_space<vmem>> -> memref<1x32x1152xf32, #tpu.memory_space<vmem>>
    %dma_wait3A_285 = tpu.memref_squeeze %dma_wait3A_284 : memref<1x32x1152xf32, #tpu.memory_space<vmem>> -> memref<32x1152xf32, #tpu.memory_space<vmem>>
    %dma_wait3A_286 = arith.constant 128 : i32
    %dma_wait3A_287 = tpu.memref_slice %arg5[%dma_wait3A_286] : memref<256xi32, #tpu.memory_space<vmem>> -> memref<32xi32, #tpu.memory_space<vmem>>
    %dma_wait3A_288 = arith.constant 0 : i32
    %dma_wait3A_289 = arith.constant 0 : i32
    %dma_wait3A_290 = tpu.memref_slice %arg3[%dma_wait3A_288, %dma_wait3A_289] : memref<262144x1152xf32, #tpu.memory_space<hbm>> -> memref<262144x1152xf32, #tpu.memory_space<hbm>>
    %dma_wait3A_291 = tpu.memref_slice %arg7[%dma_wait3A_281] : memref<3x!tpu.dma_semaphore, #tpu.memory_space<semaphore_mem>> -> memref<1x!tpu.dma_semaphore, #tpu.memory_space<semaphore_mem>>
    %dma_wait3A_292 = tpu.memref_squeeze %dma_wait3A_291 : memref<1x!tpu.dma_semaphore, #tpu.memory_space<semaphore_mem>> -> memref<!tpu.dma_semaphore, #tpu.memory_space<semaphore_mem>>
    tpu.wait_indirect_dma semaphore(%dma_wait3A_292 : memref<!tpu.dma_semaphore, #tpu.memory_space<semaphore_mem>>) src(%dma_wait3A_290 : memref<262144x1152xf32, #tpu.memory_space<hbm>>) dst(%dma_wait3A_285 : memref<32x1152xf32, #tpu.memory_space<vmem>>)
    %add3A_293 = arith.constant 128 : i32
    %add3A_294 = arith.addi %mul3A_2, %add3A_293 : i32
    %dma_start3A_295 = arith.constant 1 : i32
    %dma_start3A_296 = arith.constant 1 : i32
    %dma_start3A_297 = arith.constant 0 : i32
    %dma_start3A_298 = arith.constant 0 : i32
    %dma_start3A_299 = tpu.memref_slice %arg6[%dma_start3A_295, %dma_start3A_297, %dma_start3A_298] : memref<3x32x1152xf32, #tpu.memory_space<vmem>> -> memref<1x32x1152xf32, #tpu.memory_space<vmem>>
    %dma_start3A_300 = tpu.memref_squeeze %dma_start3A_299 : memref<1x32x1152xf32, #tpu.memory_space<vmem>> -> memref<32x1152xf32, #tpu.memory_space<vmem>>
    %dma_start3A_301 = arith.constant 0 : i32
    %dma_start3A_302 = tpu.memref_slice %arg4[%add3A_294, %dma_start3A_301] : memref<8192x1152xf32, #tpu.memory_space<hbm>> -> memref<32x1152xf32, #tpu.memory_space<hbm>>
    %dma_start3A_303 = tpu.memref_slice %arg8[%dma_start3A_296] : memref<3x!tpu.dma_semaphore, #tpu.memory_space<semaphore_mem>> -> memref<1x!tpu.dma_semaphore, #tpu.memory_space<semaphore_mem>>
    %dma_start3A_304 = tpu.memref_squeeze %dma_start3A_303 : memref<1x!tpu.dma_semaphore, #tpu.memory_space<semaphore_mem>> -> memref<!tpu.dma_semaphore, #tpu.memory_space<semaphore_mem>>
    %dma_start3A_305 = arith.constant 0 : i32
    %dma_start3A_306 = tpu.memref_slice %arg4[%add3A_294, %dma_start3A_305] : memref<8192x1152xf32, #tpu.memory_space<hbm>> -> memref<32x1152xf32, #tpu.memory_space<hbm>>
    %dma_start3A_307 = arith.constant 0 : i32
    %dma_start3A_308 = arith.constant 0 : i32
    %dma_start3A_309 = tpu.memref_slice %arg6[%dma_start3A_295, %dma_start3A_307, %dma_start3A_308] : memref<3x32x1152xf32, #tpu.memory_space<vmem>> -> memref<1x32x1152xf32, #tpu.memory_space<vmem>>
    %dma_start3A_310 = tpu.memref_squeeze %dma_start3A_309 : memref<1x32x1152xf32, #tpu.memory_space<vmem>> -> memref<32x1152xf32, #tpu.memory_space<vmem>>
    tpu.enqueue_dma source(%dma_start3A_310 : memref<32x1152xf32, #tpu.memory_space<vmem>>) target(%dma_start3A_306 : memref<32x1152xf32, #tpu.memory_space<hbm>>) target_semaphore(%dma_start3A_304 : memref<!tpu.dma_semaphore, #tpu.memory_space<semaphore_mem>>)
    %dma_wait3A_311 = arith.constant 1 : i32
    %dma_wait3A_312 = arith.constant 1 : i32
    %dma_wait3A_313 = arith.constant 0 : i32
    %dma_wait3A_314 = arith.constant 0 : i32
    %dma_wait3A_315 = tpu.memref_slice %arg6[%dma_wait3A_311, %dma_wait3A_313, %dma_wait3A_314] : memref<3x32x1152xf32, #tpu.memory_space<vmem>> -> memref<1x32x1152xf32, #tpu.memory_space<vmem>>
    %dma_wait3A_316 = tpu.memref_squeeze %dma_wait3A_315 : memref<1x32x1152xf32, #tpu.memory_space<vmem>> -> memref<32x1152xf32, #tpu.memory_space<vmem>>
    %dma_wait3A_317 = arith.constant 0 : i32
    %dma_wait3A_318 = tpu.memref_slice %arg4[%add3A_294, %dma_wait3A_317] : memref<8192x1152xf32, #tpu.memory_space<hbm>> -> memref<32x1152xf32, #tpu.memory_space<hbm>>
    %dma_wait3A_319 = tpu.memref_slice %arg8[%dma_wait3A_312] : memref<3x!tpu.dma_semaphore, #tpu.memory_space<semaphore_mem>> -> memref<1x!tpu.dma_semaphore, #tpu.memory_space<semaphore_mem>>
    %dma_wait3A_320 = tpu.memref_squeeze %dma_wait3A_319 : memref<1x!tpu.dma_semaphore, #tpu.memory_space<semaphore_mem>> -> memref<!tpu.dma_semaphore, #tpu.memory_space<semaphore_mem>>
    %dma_wait3A_321 = arith.constant 0 : i32
    %dma_wait3A_322 = tpu.memref_slice %arg4[%add3A_294, %dma_wait3A_321] : memref<8192x1152xf32, #tpu.memory_space<hbm>> -> memref<32x1152xf32, #tpu.memory_space<hbm>>
    %dma_wait3A_323 = arith.constant 0 : i32
    %dma_wait3A_324 = arith.constant 0 : i32
    %dma_wait3A_325 = tpu.memref_slice %arg6[%dma_wait3A_311, %dma_wait3A_323, %dma_wait3A_324] : memref<3x32x1152xf32, #tpu.memory_space<vmem>> -> memref<1x32x1152xf32, #tpu.memory_space<vmem>>
    %dma_wait3A_326 = tpu.memref_squeeze %dma_wait3A_325 : memref<1x32x1152xf32, #tpu.memory_space<vmem>> -> memref<32x1152xf32, #tpu.memory_space<vmem>>
    tpu.wait_dma2 semaphore(%dma_wait3A_320 : memref<!tpu.dma_semaphore, #tpu.memory_space<semaphore_mem>>) src(%dma_wait3A_326 : memref<32x1152xf32, #tpu.memory_space<vmem>>) dst(%dma_wait3A_322 : memref<32x1152xf32, #tpu.memory_space<hbm>>)
    %dma_start3A_327 = arith.constant 1 : i32
    %dma_start3A_328 = arith.constant 1 : i32
    %dma_start3A_329 = arith.constant 0 : i32
    %dma_start3A_330 = arith.constant 0 : i32
    %dma_start3A_331 = tpu.memref_slice %arg6[%dma_start3A_327, %dma_start3A_329, %dma_start3A_330] : memref<3x32x1152xf32, #tpu.memory_space<vmem>> -> memref<1x32x1152xf32, #tpu.memory_space<vmem>>
    %dma_start3A_332 = tpu.memref_squeeze %dma_start3A_331 : memref<1x32x1152xf32, #tpu.memory_space<vmem>> -> memref<32x1152xf32, #tpu.memory_space<vmem>>
    %dma_start3A_333 = arith.constant 224 : i32
    %dma_start3A_334 = tpu.memref_slice %arg5[%dma_start3A_333] : memref<256xi32, #tpu.memory_space<vmem>> -> memref<32xi32, #tpu.memory_space<vmem>>
    %dma_start3A_335 = arith.constant 0 : i32
    %dma_start3A_336 = arith.constant 0 : i32
    %dma_start3A_337 = tpu.memref_slice %arg3[%dma_start3A_335, %dma_start3A_336] : memref<262144x1152xf32, #tpu.memory_space<hbm>> -> memref<262144x1152xf32, #tpu.memory_space<hbm>>
    %dma_start3A_338 = tpu.memref_slice %arg7[%dma_start3A_328] : memref<3x!tpu.dma_semaphore, #tpu.memory_space<semaphore_mem>> -> memref<1x!tpu.dma_semaphore, #tpu.memory_space<semaphore_mem>>
    %dma_start3A_339 = tpu.memref_squeeze %dma_start3A_338 : memref<1x!tpu.dma_semaphore, #tpu.memory_space<semaphore_mem>> -> memref<!tpu.dma_semaphore, #tpu.memory_space<semaphore_mem>>
    tpu.enqueue_indirect_dma source(%dma_start3A_337 : memref<262144x1152xf32, #tpu.memory_space<hbm>>) target(%dma_start3A_332 : memref<32x1152xf32, #tpu.memory_space<vmem>>) offsets(%dma_start3A_334 : memref<32xi32, #tpu.memory_space<vmem>>) semaphore(%dma_start3A_339 : memref<!tpu.dma_semaphore, #tpu.memory_space<semaphore_mem>>)
    %dma_wait3A_340 = arith.constant 2 : i32
    %dma_wait3A_341 = arith.constant 2 : i32
    %dma_wait3A_342 = arith.constant 0 : i32
    %dma_wait3A_343 = arith.constant 0 : i32
    %dma_wait3A_344 = tpu.memref_slice %arg6[%dma_wait3A_340, %dma_wait3A_342, %dma_wait3A_343] : memref<3x32x1152xf32, #tpu.memory_space<vmem>> -> memref<1x32x1152xf32, #tpu.memory_space<vmem>>
    %dma_wait3A_345 = tpu.memref_squeeze %dma_wait3A_344 : memref<1x32x1152xf32, #tpu.memory_space<vmem>> -> memref<32x1152xf32, #tpu.memory_space<vmem>>
    %dma_wait3A_346 = arith.constant 160 : i32
    %dma_wait3A_347 = tpu.memref_slice %arg5[%dma_wait3A_346] : memref<256xi32, #tpu.memory_space<vmem>> -> memref<32xi32, #tpu.memory_space<vmem>>
    %dma_wait3A_348 = arith.constant 0 : i32
    %dma_wait3A_349 = arith.constant 0 : i32
    %dma_wait3A_350 = tpu.memref_slice %arg3[%dma_wait3A_348, %dma_wait3A_349] : memref<262144x1152xf32, #tpu.memory_space<hbm>> -> memref<262144x1152xf32, #tpu.memory_space<hbm>>
    %dma_wait3A_351 = tpu.memref_slice %arg7[%dma_wait3A_341] : memref<3x!tpu.dma_semaphore, #tpu.memory_space<semaphore_mem>> -> memref<1x!tpu.dma_semaphore, #tpu.memory_space<semaphore_mem>>
    %dma_wait3A_352 = tpu.memref_squeeze %dma_wait3A_351 : memref<1x!tpu.dma_semaphore, #tpu.memory_space<semaphore_mem>> -> memref<!tpu.dma_semaphore, #tpu.memory_space<semaphore_mem>>
    tpu.wait_indirect_dma semaphore(%dma_wait3A_352 : memref<!tpu.dma_semaphore, #tpu.memory_space<semaphore_mem>>) src(%dma_wait3A_350 : memref<262144x1152xf32, #tpu.memory_space<hbm>>) dst(%dma_wait3A_345 : memref<32x1152xf32, #tpu.memory_space<vmem>>)
    %add3A_353 = arith.constant 160 : i32
    %add3A_354 = arith.addi %mul3A_2, %add3A_353 : i32
    %dma_start3A_355 = arith.constant 2 : i32
    %dma_start3A_356 = arith.constant 2 : i32
    %dma_start3A_357 = arith.constant 0 : i32
    %dma_start3A_358 = arith.constant 0 : i32
    %dma_start3A_359 = tpu.memref_slice %arg6[%dma_start3A_355, %dma_start3A_357, %dma_start3A_358] : memref<3x32x1152xf32, #tpu.memory_space<vmem>> -> memref<1x32x1152xf32, #tpu.memory_space<vmem>>
    %dma_start3A_360 = tpu.memref_squeeze %dma_start3A_359 : memref<1x32x1152xf32, #tpu.memory_space<vmem>> -> memref<32x1152xf32, #tpu.memory_space<vmem>>
    %dma_start3A_361 = arith.constant 0 : i32
    %dma_start3A_362 = tpu.memref_slice %arg4[%add3A_354, %dma_start3A_361] : memref<8192x1152xf32, #tpu.memory_space<hbm>> -> memref<32x1152xf32, #tpu.memory_space<hbm>>
    %dma_start3A_363 = tpu.memref_slice %arg8[%dma_start3A_356] : memref<3x!tpu.dma_semaphore, #tpu.memory_space<semaphore_mem>> -> memref<1x!tpu.dma_semaphore, #tpu.memory_space<semaphore_mem>>
    %dma_start3A_364 = tpu.memref_squeeze %dma_start3A_363 : memref<1x!tpu.dma_semaphore, #tpu.memory_space<semaphore_mem>> -> memref<!tpu.dma_semaphore, #tpu.memory_space<semaphore_mem>>
    %dma_start3A_365 = arith.constant 0 : i32
    %dma_start3A_366 = tpu.memref_slice %arg4[%add3A_354, %dma_start3A_365] : memref<8192x1152xf32, #tpu.memory_space<hbm>> -> memref<32x1152xf32, #tpu.memory_space<hbm>>
    %dma_start3A_367 = arith.constant 0 : i32
    %dma_start3A_368 = arith.constant 0 : i32
    %dma_start3A_369 = tpu.memref_slice %arg6[%dma_start3A_355, %dma_start3A_367, %dma_start3A_368] : memref<3x32x1152xf32, #tpu.memory_space<vmem>> -> memref<1x32x1152xf32, #tpu.memory_space<vmem>>
    %dma_start3A_370 = tpu.memref_squeeze %dma_start3A_369 : memref<1x32x1152xf32, #tpu.memory_space<vmem>> -> memref<32x1152xf32, #tpu.memory_space<vmem>>
    tpu.enqueue_dma source(%dma_start3A_370 : memref<32x1152xf32, #tpu.memory_space<vmem>>) target(%dma_start3A_366 : memref<32x1152xf32, #tpu.memory_space<hbm>>) target_semaphore(%dma_start3A_364 : memref<!tpu.dma_semaphore, #tpu.memory_space<semaphore_mem>>)
    %dma_wait3A_371 = arith.constant 0 : i32
    %dma_wait3A_372 = arith.constant 0 : i32
    %dma_wait3A_373 = arith.constant 0 : i32
    %dma_wait3A_374 = arith.constant 0 : i32
    %dma_wait3A_375 = tpu.memref_slice %arg6[%dma_wait3A_371, %dma_wait3A_373, %dma_wait3A_374] : memref<3x32x1152xf32, #tpu.memory_space<vmem>> -> memref<1x32x1152xf32, #tpu.memory_space<vmem>>
    %dma_wait3A_376 = tpu.memref_squeeze %dma_wait3A_375 : memref<1x32x1152xf32, #tpu.memory_space<vmem>> -> memref<32x1152xf32, #tpu.memory_space<vmem>>
    %dma_wait3A_377 = arith.constant 192 : i32
    %dma_wait3A_378 = tpu.memref_slice %arg5[%dma_wait3A_377] : memref<256xi32, #tpu.memory_space<vmem>> -> memref<32xi32, #tpu.memory_space<vmem>>
    %dma_wait3A_379 = arith.constant 0 : i32
    %dma_wait3A_380 = arith.constant 0 : i32
    %dma_wait3A_381 = tpu.memref_slice %arg3[%dma_wait3A_379, %dma_wait3A_380] : memref<262144x1152xf32, #tpu.memory_space<hbm>> -> memref<262144x1152xf32, #tpu.memory_space<hbm>>
    %dma_wait3A_382 = tpu.memref_slice %arg7[%dma_wait3A_372] : memref<3x!tpu.dma_semaphore, #tpu.memory_space<semaphore_mem>> -> memref<1x!tpu.dma_semaphore, #tpu.memory_space<semaphore_mem>>
    %dma_wait3A_383 = tpu.memref_squeeze %dma_wait3A_382 : memref<1x!tpu.dma_semaphore, #tpu.memory_space<semaphore_mem>> -> memref<!tpu.dma_semaphore, #tpu.memory_space<semaphore_mem>>
    tpu.wait_indirect_dma semaphore(%dma_wait3A_383 : memref<!tpu.dma_semaphore, #tpu.memory_space<semaphore_mem>>) src(%dma_wait3A_381 : memref<262144x1152xf32, #tpu.memory_space<hbm>>) dst(%dma_wait3A_376 : memref<32x1152xf32, #tpu.memory_space<vmem>>)
    %add3A_384 = arith.constant 192 : i32
    %add3A_385 = arith.addi %mul3A_2, %add3A_384 : i32
    %dma_start3A_386 = arith.constant 0 : i32
    %dma_start3A_387 = arith.constant 0 : i32
    %dma_start3A_388 = arith.constant 0 : i32
    %dma_start3A_389 = arith.constant 0 : i32
    %dma_start3A_390 = tpu.memref_slice %arg6[%dma_start3A_386, %dma_start3A_388, %dma_start3A_389] : memref<3x32x1152xf32, #tpu.memory_space<vmem>> -> memref<1x32x1152xf32, #tpu.memory_space<vmem>>
    %dma_start3A_391 = tpu.memref_squeeze %dma_start3A_390 : memref<1x32x1152xf32, #tpu.memory_space<vmem>> -> memref<32x1152xf32, #tpu.memory_space<vmem>>
    %dma_start3A_392 = arith.constant 0 : i32
    %dma_start3A_393 = tpu.memref_slice %arg4[%add3A_385, %dma_start3A_392] : memref<8192x1152xf32, #tpu.memory_space<hbm>> -> memref<32x1152xf32, #tpu.memory_space<hbm>>
    %dma_start3A_394 = tpu.memref_slice %arg8[%dma_start3A_387] : memref<3x!tpu.dma_semaphore, #tpu.memory_space<semaphore_mem>> -> memref<1x!tpu.dma_semaphore, #tpu.memory_space<semaphore_mem>>
    %dma_start3A_395 = tpu.memref_squeeze %dma_start3A_394 : memref<1x!tpu.dma_semaphore, #tpu.memory_space<semaphore_mem>> -> memref<!tpu.dma_semaphore, #tpu.memory_space<semaphore_mem>>
    %dma_start3A_396 = arith.constant 0 : i32
    %dma_start3A_397 = tpu.memref_slice %arg4[%add3A_385, %dma_start3A_396] : memref<8192x1152xf32, #tpu.memory_space<hbm>> -> memref<32x1152xf32, #tpu.memory_space<hbm>>
    %dma_start3A_398 = arith.constant 0 : i32
    %dma_start3A_399 = arith.constant 0 : i32
    %dma_start3A_400 = tpu.memref_slice %arg6[%dma_start3A_386, %dma_start3A_398, %dma_start3A_399] : memref<3x32x1152xf32, #tpu.memory_space<vmem>> -> memref<1x32x1152xf32, #tpu.memory_space<vmem>>
    %dma_start3A_401 = tpu.memref_squeeze %dma_start3A_400 : memref<1x32x1152xf32, #tpu.memory_space<vmem>> -> memref<32x1152xf32, #tpu.memory_space<vmem>>
    tpu.enqueue_dma source(%dma_start3A_401 : memref<32x1152xf32, #tpu.memory_space<vmem>>) target(%dma_start3A_397 : memref<32x1152xf32, #tpu.memory_space<hbm>>) target_semaphore(%dma_start3A_395 : memref<!tpu.dma_semaphore, #tpu.memory_space<semaphore_mem>>)
    %dma_wait3A_402 = arith.constant 1 : i32
    %dma_wait3A_403 = arith.constant 1 : i32
    %dma_wait3A_404 = arith.constant 0 : i32
    %dma_wait3A_405 = arith.constant 0 : i32
    %dma_wait3A_406 = tpu.memref_slice %arg6[%dma_wait3A_402, %dma_wait3A_404, %dma_wait3A_405] : memref<3x32x1152xf32, #tpu.memory_space<vmem>> -> memref<1x32x1152xf32, #tpu.memory_space<vmem>>
    %dma_wait3A_407 = tpu.memref_squeeze %dma_wait3A_406 : memref<1x32x1152xf32, #tpu.memory_space<vmem>> -> memref<32x1152xf32, #tpu.memory_space<vmem>>
    %dma_wait3A_408 = arith.constant 224 : i32
    %dma_wait3A_409 = tpu.memref_slice %arg5[%dma_wait3A_408] : memref<256xi32, #tpu.memory_space<vmem>> -> memref<32xi32, #tpu.memory_space<vmem>>
    %dma_wait3A_410 = arith.constant 0 : i32
    %dma_wait3A_411 = arith.constant 0 : i32
    %dma_wait3A_412 = tpu.memref_slice %arg3[%dma_wait3A_410, %dma_wait3A_411] : memref<262144x1152xf32, #tpu.memory_space<hbm>> -> memref<262144x1152xf32, #tpu.memory_space<hbm>>
    %dma_wait3A_413 = tpu.memref_slice %arg7[%dma_wait3A_403] : memref<3x!tpu.dma_semaphore, #tpu.memory_space<semaphore_mem>> -> memref<1x!tpu.dma_semaphore, #tpu.memory_space<semaphore_mem>>
    %dma_wait3A_414 = tpu.memref_squeeze %dma_wait3A_413 : memref<1x!tpu.dma_semaphore, #tpu.memory_space<semaphore_mem>> -> memref<!tpu.dma_semaphore, #tpu.memory_space<semaphore_mem>>
    tpu.wait_indirect_dma semaphore(%dma_wait3A_414 : memref<!tpu.dma_semaphore, #tpu.memory_space<semaphore_mem>>) src(%dma_wait3A_412 : memref<262144x1152xf32, #tpu.memory_space<hbm>>) dst(%dma_wait3A_407 : memref<32x1152xf32, #tpu.memory_space<vmem>>)
    %add3A_415 = arith.constant 224 : i32
    %add3A_416 = arith.addi %mul3A_2, %add3A_415 : i32
    %dma_start3A_417 = arith.constant 1 : i32
    %dma_start3A_418 = arith.constant 1 : i32
    %dma_start3A_419 = arith.constant 0 : i32
    %dma_start3A_420 = arith.constant 0 : i32
    %dma_start3A_421 = tpu.memref_slice %arg6[%dma_start3A_417, %dma_start3A_419, %dma_start3A_420] : memref<3x32x1152xf32, #tpu.memory_space<vmem>> -> memref<1x32x1152xf32, #tpu.memory_space<vmem>>
    %dma_start3A_422 = tpu.memref_squeeze %dma_start3A_421 : memref<1x32x1152xf32, #tpu.memory_space<vmem>> -> memref<32x1152xf32, #tpu.memory_space<vmem>>
    %dma_start3A_423 = arith.constant 0 : i32
    %dma_start3A_424 = tpu.memref_slice %arg4[%add3A_416, %dma_start3A_423] : memref<8192x1152xf32, #tpu.memory_space<hbm>> -> memref<32x1152xf32, #tpu.memory_space<hbm>>
    %dma_start3A_425 = tpu.memref_slice %arg8[%dma_start3A_418] : memref<3x!tpu.dma_semaphore, #tpu.memory_space<semaphore_mem>> -> memref<1x!tpu.dma_semaphore, #tpu.memory_space<semaphore_mem>>
    %dma_start3A_426 = tpu.memref_squeeze %dma_start3A_425 : memref<1x!tpu.dma_semaphore, #tpu.memory_space<semaphore_mem>> -> memref<!tpu.dma_semaphore, #tpu.memory_space<semaphore_mem>>
    %dma_start3A_427 = arith.constant 0 : i32
    %dma_start3A_428 = tpu.memref_slice %arg4[%add3A_416, %dma_start3A_427] : memref<8192x1152xf32, #tpu.memory_space<hbm>> -> memref<32x1152xf32, #tpu.memory_space<hbm>>
    %dma_start3A_429 = arith.constant 0 : i32
    %dma_start3A_430 = arith.constant 0 : i32
    %dma_start3A_431 = tpu.memref_slice %arg6[%dma_start3A_417, %dma_start3A_429, %dma_start3A_430] : memref<3x32x1152xf32, #tpu.memory_space<vmem>> -> memref<1x32x1152xf32, #tpu.memory_space<vmem>>
    %dma_start3A_432 = tpu.memref_squeeze %dma_start3A_431 : memref<1x32x1152xf32, #tpu.memory_space<vmem>> -> memref<32x1152xf32, #tpu.memory_space<vmem>>
    tpu.enqueue_dma source(%dma_start3A_432 : memref<32x1152xf32, #tpu.memory_space<vmem>>) target(%dma_start3A_428 : memref<32x1152xf32, #tpu.memory_space<hbm>>) target_semaphore(%dma_start3A_426 : memref<!tpu.dma_semaphore, #tpu.memory_space<semaphore_mem>>)
    %dma_wait3A_433 = arith.constant 2 : i32
    %dma_wait3A_434 = arith.constant 2 : i32
    %dma_wait3A_435 = arith.constant 0 : i32
    %dma_wait3A_436 = arith.constant 0 : i32
    %dma_wait3A_437 = tpu.memref_slice %arg6[%dma_wait3A_433, %dma_wait3A_435, %dma_wait3A_436] : memref<3x32x1152xf32, #tpu.memory_space<vmem>> -> memref<1x32x1152xf32, #tpu.memory_space<vmem>>
    %dma_wait3A_438 = tpu.memref_squeeze %dma_wait3A_437 : memref<1x32x1152xf32, #tpu.memory_space<vmem>> -> memref<32x1152xf32, #tpu.memory_space<vmem>>
    %dma_wait3A_439 = arith.constant 0 : i32
    %dma_wait3A_440 = tpu.memref_slice %arg4[%add3A_354, %dma_wait3A_439] : memref<8192x1152xf32, #tpu.memory_space<hbm>> -> memref<32x1152xf32, #tpu.memory_space<hbm>>
    %dma_wait3A_441 = tpu.memref_slice %arg8[%dma_wait3A_434] : memref<3x!tpu.dma_semaphore, #tpu.memory_space<semaphore_mem>> -> memref<1x!tpu.dma_semaphore, #tpu.memory_space<semaphore_mem>>
    %dma_wait3A_442 = tpu.memref_squeeze %dma_wait3A_441 : memref<1x!tpu.dma_semaphore, #tpu.memory_space<semaphore_mem>> -> memref<!tpu.dma_semaphore, #tpu.memory_space<semaphore_mem>>
    %dma_wait3A_443 = arith.constant 0 : i32
    %dma_wait3A_444 = tpu.memref_slice %arg4[%add3A_354, %dma_wait3A_443] : memref<8192x1152xf32, #tpu.memory_space<hbm>> -> memref<32x1152xf32, #tpu.memory_space<hbm>>
    %dma_wait3A_445 = arith.constant 0 : i32
    %dma_wait3A_446 = arith.constant 0 : i32
    %dma_wait3A_447 = tpu.memref_slice %arg6[%dma_wait3A_433, %dma_wait3A_445, %dma_wait3A_446] : memref<3x32x1152xf32, #tpu.memory_space<vmem>> -> memref<1x32x1152xf32, #tpu.memory_space<vmem>>
    %dma_wait3A_448 = tpu.memref_squeeze %dma_wait3A_447 : memref<1x32x1152xf32, #tpu.memory_space<vmem>> -> memref<32x1152xf32, #tpu.memory_space<vmem>>
    tpu.wait_dma2 semaphore(%dma_wait3A_442 : memref<!tpu.dma_semaphore, #tpu.memory_space<semaphore_mem>>) src(%dma_wait3A_448 : memref<32x1152xf32, #tpu.memory_space<vmem>>) dst(%dma_wait3A_444 : memref<32x1152xf32, #tpu.memory_space<hbm>>)
    %dma_wait3A_449 = arith.constant 0 : i32
    %dma_wait3A_450 = arith.constant 0 : i32
    %dma_wait3A_451 = arith.constant 0 : i32
    %dma_wait3A_452 = arith.constant 0 : i32
    %dma_wait3A_453 = tpu.memref_slice %arg6[%dma_wait3A_449, %dma_wait3A_451, %dma_wait3A_452] : memref<3x32x1152xf32, #tpu.memory_space<vmem>> -> memref<1x32x1152xf32, #tpu.memory_space<vmem>>
    %dma_wait3A_454 = tpu.memref_squeeze %dma_wait3A_453 : memref<1x32x1152xf32, #tpu.memory_space<vmem>> -> memref<32x1152xf32, #tpu.memory_space<vmem>>
    %dma_wait3A_455 = arith.constant 0 : i32
    %dma_wait3A_456 = tpu.memref_slice %arg4[%add3A_385, %dma_wait3A_455] : memref<8192x1152xf32, #tpu.memory_space<hbm>> -> memref<32x1152xf32, #tpu.memory_space<hbm>>
    %dma_wait3A_457 = tpu.memref_slice %arg8[%dma_wait3A_450] : memref<3x!tpu.dma_semaphore, #tpu.memory_space<semaphore_mem>> -> memref<1x!tpu.dma_semaphore, #tpu.memory_space<semaphore_mem>>
    %dma_wait3A_458 = tpu.memref_squeeze %dma_wait3A_457 : memref<1x!tpu.dma_semaphore, #tpu.memory_space<semaphore_mem>> -> memref<!tpu.dma_semaphore, #tpu.memory_space<semaphore_mem>>
    %dma_wait3A_459 = arith.constant 0 : i32
    %dma_wait3A_460 = tpu.memref_slice %arg4[%add3A_385, %dma_wait3A_459] : memref<8192x1152xf32, #tpu.memory_space<hbm>> -> memref<32x1152xf32, #tpu.memory_space<hbm>>
    %dma_wait3A_461 = arith.constant 0 : i32
    %dma_wait3A_462 = arith.constant 0 : i32
    %dma_wait3A_463 = tpu.memref_slice %arg6[%dma_wait3A_449, %dma_wait3A_461, %dma_wait3A_462] : memref<3x32x1152xf32, #tpu.memory_space<vmem>> -> memref<1x32x1152xf32, #tpu.memory_space<vmem>>
    %dma_wait3A_464 = tpu.memref_squeeze %dma_wait3A_463 : memref<1x32x1152xf32, #tpu.memory_space<vmem>> -> memref<32x1152xf32, #tpu.memory_space<vmem>>
    tpu.wait_dma2 semaphore(%dma_wait3A_458 : memref<!tpu.dma_semaphore, #tpu.memory_space<semaphore_mem>>) src(%dma_wait3A_464 : memref<32x1152xf32, #tpu.memory_space<vmem>>) dst(%dma_wait3A_460 : memref<32x1152xf32, #tpu.memory_space<hbm>>)
    %dma_wait3A_465 = arith.constant 1 : i32
    %dma_wait3A_466 = arith.constant 1 : i32
    %dma_wait3A_467 = arith.constant 0 : i32
    %dma_wait3A_468 = arith.constant 0 : i32
    %dma_wait3A_469 = tpu.memref_slice %arg6[%dma_wait3A_465, %dma_wait3A_467, %dma_wait3A_468] : memref<3x32x1152xf32, #tpu.memory_space<vmem>> -> memref<1x32x1152xf32, #tpu.memory_space<vmem>>
    %dma_wait3A_470 = tpu.memref_squeeze %dma_wait3A_469 : memref<1x32x1152xf32, #tpu.memory_space<vmem>> -> memref<32x1152xf32, #tpu.memory_space<vmem>>
    %dma_wait3A_471 = arith.constant 0 : i32
    %dma_wait3A_472 = tpu.memref_slice %arg4[%add3A_416, %dma_wait3A_471] : memref<8192x1152xf32, #tpu.memory_space<hbm>> -> memref<32x1152xf32, #tpu.memory_space<hbm>>
    %dma_wait3A_473 = tpu.memref_slice %arg8[%dma_wait3A_466] : memref<3x!tpu.dma_semaphore, #tpu.memory_space<semaphore_mem>> -> memref<1x!tpu.dma_semaphore, #tpu.memory_space<semaphore_mem>>
    %dma_wait3A_474 = tpu.memref_squeeze %dma_wait3A_473 : memref<1x!tpu.dma_semaphore, #tpu.memory_space<semaphore_mem>> -> memref<!tpu.dma_semaphore, #tpu.memory_space<semaphore_mem>>
    %dma_wait3A_475 = arith.constant 0 : i32
    %dma_wait3A_476 = tpu.memref_slice %arg4[%add3A_416, %dma_wait3A_475] : memref<8192x1152xf32, #tpu.memory_space<hbm>> -> memref<32x1152xf32, #tpu.memory_space<hbm>>
    %dma_wait3A_477 = arith.constant 0 : i32
    %dma_wait3A_478 = arith.constant 0 : i32
    %dma_wait3A_479 = tpu.memref_slice %arg6[%dma_wait3A_465, %dma_wait3A_477, %dma_wait3A_478] : memref<3x32x1152xf32, #tpu.memory_space<vmem>> -> memref<1x32x1152xf32, #tpu.memory_space<vmem>>
    %dma_wait3A_480 = tpu.memref_squeeze %dma_wait3A_479 : memref<1x32x1152xf32, #tpu.memory_space<vmem>> -> memref<32x1152xf32, #tpu.memory_space<vmem>>
    tpu.wait_dma2 semaphore(%dma_wait3A_474 : memref<!tpu.dma_semaphore, #tpu.memory_space<semaphore_mem>>) src(%dma_wait3A_480 : memref<32x1152xf32, #tpu.memory_space<vmem>>) dst(%dma_wait3A_476 : memref<32x1152xf32, #tpu.memory_space<hbm>>)
    return
  }
}

</mosaic_0001>

<sc_bundles>
// kernel: kernel.3.cloned.1.call-start
scs
__scs_entry_jumppad:
0x0: {  	(pc) =	sbr.rel $0x88, $3  }
0x1: {  	(tag) =	ssettag $0x0;
	lr =	simm.s32 $0x1  }
0x2: {  	[smem:$0x3F9F] =	sst lr;
	_ =	strace $0xD0000000  }
0x3: {  	_ = 	snop  }
0x4: {  	_ = 	snop  }
0x5: {  	_ = 	snop  }
0x6: {  	_ = 	snop  }
0x7: {  	_ = 	snop  }
__scs_overlays_trampoline_lowered:
0x8: {  	[smem:$0x3FAE] =	sst s0  }
0x9: {  	[smem:$0x3FAF] =	sst s1  }
0xa: {  	[smem:$0x3FB0] =	sst s2  }
0xb: {  	[smem:$0x3FB1] =	sst s3  }
0xc: {  	[smem:$0x3FB2] =	sst s4  }
0xd: {  	[smem:$0x3FB3] =	sst s5  }
0xe: {  	[smem:$0x3FB4] =	sst s6  }
0xf: {  	[smem:$0x3FB5] =	sst s7  }
0x10: {  	[smem:$0x3FB6] =	sst s8  }
0x11: {  	[smem:$0x3FB7] =	sst s9;
	s0 =	simm.s32 @!p0 $0x0  }
0x12: {  	s1 =	sld [smem:$0x3F9D];
	s0 =	simm.s32 @p0 $0x1  }
0x13: {  	[smem:$0x3FB8] =	sst s0;
	s0 =	simm.s32 @!p1 $0x0  }
0x14: {  	s2 =	sld [smem:$0x3F9C];
	s0 =	simm.s32 @p1 $0x1  }
0x15: {  	[smem:$0x3FB9] =	sst s0;
	s0 =	simm.s32 @!p2 $0x0  }
0x16: {  	s3 =	sld [smem:$0x3FDB];
	s0 =	simm.s32 @p2 $0x1  }
0x17: {  	s4 =	simm.s32 $0x1BF5;
	[smem:$0x3FBB] =	sst s0  }
0x18: {  	s0 =	sld [smem:$0x3F9E];
	_ =	swait.ge [sflag:s4], $0x0  }
0x19: {  	s7 =	sld [smem:$0x3F9F]  }
0x1a: {  	s8 =	sadd.s32 $0xFFFFE003, lr  }
0x1b: {  	s9 =	sadd.s32 $0xFFFFFEF7, lr;
	s5 =	simm.s32 $0xFFFFFFFF;
	p2 =	slt.u32 s8, $0xFFFFF086  }
0x1c: {  	p1 =	slt.u32 s9, $0xF7A;
	s5 =	simm.s32 @!p2 $0x0  }
0x1d: {  	s5 =	simm.s32 @p1 $0x1;
	p0 =	seq.s32 s7, s2  }
0x1e: {  	s7 =	smul.u32 @!p0 $0xF7A, s2;
	p2 =	seq.s32 @!p0 s5, $0x0  }
0x1f: {  	s9 =	smul.u32 $0xF7A, s1;
	s8 =	simm.s32 @!p0 $0x1BF5;
	p2 =	por !p2, p0  }
0x20: {  	[sflag:s8] =	ssyncset.s32 @!p0 $0xFFFFF086;
	s6 =	sadd.s32 @!p0 s3, s7;
	s7 =	simm.s32 @!p0 $0x108  }
0x21: {  	s3 =	sadd.s32 s3, s9;
	s6 =	sadd.s32 @!p0 $0x88, s6;
	s7 =	simm.s32 @p2 $0x1082  }
0x22: {  	[simem:s7], [sflag:s8] =	dma.local @!p0 [hbm:s6], $0xF7A  }
0x23: {  	s9 =	sor.u32 $0xD0000000, s2;
	s6 =	simm.s32 $0x108;
	_ =	swait.ge @!p0 [sflag:s8], $0x0  }
0x24: {  	s3 =	sadd.s32 $0x88, s3;
	s6 =	simm.s32 @!p1 $0x1082;
	[sflag:s4] =	ssyncset.s32 $0xFFFFF086  }
0x25: {  	[simem:s6], [sflag:s4] =	dma.local [hbm:s3], $0xF7A  }
0x26: {  	[smem:$0x3F9F] =	sst s1;
	(tag) =	ssettag s2;
	_ =	strace s9  }
0x27: {  	s1 =	sld [smem:$0x3FAF]  }
0x28: {  	s2 =	sld [smem:$0x3FB0]  }
0x29: {  	s4 =	sld [smem:$0x3FB2]  }
0x2a: {  	p0 =	seq.s32 s5, $0x0;
	s5 =	sld [smem:$0x3FB3]  }
0x2b: {  	s6 =	sld [smem:$0x3FB4]  }
0x2c: {  	s7 =	sld [smem:$0x3FB5]  }
0x2d: {  	s3 =	simm.s32 $0x108;
	s8 =	sld [smem:$0x3FB6]  }
0x2e: {  	s3 =	simm.s32 @!p0 $0x1082;
	s9 =	sld [smem:$0x3FB7]  }
0x2f: {  	lr =	sadd.s32 s0, s3;
	s0 =	sld [smem:$0x3FAE]  }
0x30: {  	s3 =	sld [smem:$0x3FB1]  }
0x31: {  	[smem:$0x3FBA] =	sst s10  }
0x32: {  	s10 =	sld [smem:$0x3FB8];
	_ =	sdelay $0x3  }
0x33: {  	p0 =	seq.s32 s10, $0x1;
	s10 =	sld [smem:$0x3FBA];
	_ =	sdelay $0x3  }
0x34: {  	[smem:$0x3FBA] =	sst s10  }
0x35: {  	s10 =	sld [smem:$0x3FB9];
	_ =	sdelay $0x3  }
0x36: {  	p1 =	seq.s32 s10, $0x1;
	s10 =	sld [smem:$0x3FBA];
	_ =	sdelay $0x3  }
0x37: {  	[smem:$0x3FBA] =	sst s10  }
0x38: {  	s10 =	sld [smem:$0x3FBB]  }
0x39: {  	_ = 	snop;
	(pc) =	sbr.ind lr, $3  }
0x3a: {  	_ = 	snop  }
0x3b: {  	_ = 	snop  }
0x3c: {  	p2 =	seq.s32 s10, $0x1;
	s10 =	sld [smem:$0x3FBA]  }
0x3d: {  	_ =	shalt  }
0x3e: {  	_ =	shalt  }
0x3f: {  	_ =	shalt  }
0x40: {  	_ =	shalt  }
0x41: {  	_ =	shalt  }
0x42: {  	_ =	shalt  }
0x43: {  	_ =	shalt  }
0x44: {  	_ =	shalt  }
0x45: {  	_ =	shalt  }
0x46: {  	_ =	shalt  }
0x47: {  	_ =	shalt  }
0x48: {  	_ =	shalt  }
0x49: {  	_ =	shalt  }
0x4a: {  	_ =	shalt  }
0x4b: {  	_ =	shalt  }
0x4c: {  	_ =	shalt  }
0x4d: {  	_ =	shalt  }
0x4e: {  	_ =	shalt  }
0x4f: {  	_ =	shalt  }
0x50: {  	_ =	shalt  }
0x51: {  	_ =	shalt  }
0x52: {  	_ =	shalt  }
0x53: {  	_ =	shalt  }
0x54: {  	_ =	shalt  }
0x55: {  	_ =	shalt  }
0x56: {  	_ =	shalt  }
0x57: {  	_ =	shalt  }
0x58: {  	_ =	shalt  }
0x59: {  	_ =	shalt  }
0x5a: {  	_ =	shalt  }
0x5b: {  	_ =	shalt  }
0x5c: {  	_ =	shalt  }
0x5d: {  	_ =	shalt  }
0x5e: {  	_ =	shalt  }
0x5f: {  	_ =	shalt  }
0x60: {  	_ =	shalt  }
0x61: {  	_ =	shalt  }
0x62: {  	_ =	shalt  }
0x63: {  	_ =	shalt  }
0x64: {  	_ =	shalt  }
0x65: {  	_ =	shalt  }
0x66: {  	_ =	shalt  }
0x67: {  	_ =	shalt  }
0x68: {  	_ =	shalt  }
0x69: {  	_ =	shalt  }
0x6a: {  	_ =	shalt  }
0x6b: {  	_ =	shalt  }
0x6c: {  	_ =	shalt  }
0x6d: {  	_ =	shalt  }
0x6e: {  	_ =	shalt  }
0x6f: {  	_ =	shalt  }
0x70: {  	_ =	shalt  }
0x71: {  	_ =	shalt  }
0x72: {  	_ =	shalt  }
0x73: {  	_ =	shalt  }
0x74: {  	_ =	shalt  }
0x75: {  	_ =	shalt  }
0x76: {  	_ =	shalt  }
0x77: {  	_ =	shalt  }
0x78: {  	_ =	shalt  }
0x79: {  	_ =	shalt  }
0x7a: {  	_ =	shalt  }
0x7b: {  	_ =	shalt  }
0x7c: {  	_ =	shalt  }
0x7d: {  	_ =	shalt  }
0x7e: {  	_ =	shalt  }
0x7f: {  	_ =	shalt  }
0x80: {  	_ =	shalt  }
0x81: {  	_ =	shalt  }
0x82: {  	_ =	shalt  }
0x83: {  	_ =	shalt  }
0x84: {  	_ =	shalt  }
0x85: {  	_ =	shalt  }
0x86: {  	_ =	shalt  }
0x87: {  	_ =	shalt  }
.Lfunc_end0:
.L_simem_size_0:
called_computation_lowered:
.L_overlay_start_0:
0x88: {  	s2 =	sld [smem:$0x3FD9]  }
0x89: {  	s3 =	sld [smem:$0x3FFE];
	_ =	sdelay $0x1  }
0x8a: {  	s1 =	srdreg.scid  }
0x8b: {  	s0 =	sand.u32 $0x1, s1  }
0x8c: {  	s17 =	sshll.u32 s0, $0xA;
	s2 =	sadd.s32 s3, s2  }
0x8d: {  	s2 =	sadd.s32 s2, s17  }
0x8e: {  	[smem:$0x3FC6] =	sst s2  }
0x8f: {  	_ = 	snop  }
0x90: {  	s2 =	sld [smem:$0x3FC8]  }
0x91: {  	s18 =	sld [smem:$0x3FD0];
	(tm) =	ssettm $0x1  }
0x92: {  	s4 =	sld [smem:$0x3FFB];
	_ =	sdelay $0x3  }
0x93: {  	_ =	strace s4  }
0x94: {  	s4 =	sld [smem:$0x3FFC];
	_ =	sdelay $0x3  }
0x95: {  	_ =	strace s4  }
0x96: {  	s4 =	sld [smem:$0x3FFD];
	_ =	sdelay $0x3  }
0x97: {  	_ =	strace s4  }
0x98: {  	_ =	strace $0x8FFFFFFF  }
0x99: {  	s19 =	sld [smem:$0x3FDB];
	_ =	sdelay $0x1  }
0x9a: {  	s5 =	simm.s32 $_scs_section_size  }
0x9b: {  	s6 =	simm.s32 $_size__tile_overlayer_lowered;
	s7 =	simm.s32 $_tile_overlayer_lowered  }
0x9c: {  	s22 =	simm.s32 $0x1BFF;
	s21 =	sshll.u32 s7, $0x1;
	s4 =	sadd.s32 s5, s19  }
0x9d: {  	s8 =	simm.s32 $0x0;
	s20 =	sshll.u32 s6, $0x1;
	s6 =	sadd.s32 s21, s4  }
0x9e: {  	[timem:s8], [sflag:s22] =	dma.local [hbm:s6], s20  }
0x9f: {  	_ =	swait.ge [sflag:s22], s20  }
0xa0: {  	s5 =	ssub.s32 $0x0, s20;
	[sflag:s22] =	ssyncset.done $0x0  }
0xa1: {  	[sflag:s22] =	ssyncadd.s32 s5;
	_ =	sdelay $0x1  }
0xa2: {  	s23 =	simm.s32 $0x1B8B  }
0xa3: {  	_ =	swait.ge [sflag:s23], $0x1  }
0xa4: {  	[sflag:s23] =	ssyncset.done $0x0  }
0xa5: {  	s25 =	simm.s32 $0x1B8E;
	s24 =	sld [smem:$0x3FFE];
	[sflag:s23] =	ssyncadd.s32 $0xFFFFFFFF  }
0xa6: {  	s26 =	simm.s32 $execute0_lowered;
	[smem:$0x3FD2] =	sst s25  }
0xa7: {  	s6 =	sshll.u32 s26, $0x1;
	_ =	strace $0x80000046;
	[dreg:$0x1] =	wrdreg $0xFFFFFFFF  }
0xa8: {  	s28 =	simm.s32 $_size_execute0_lowered;
	s4 =	sadd.s32 s4, s6;
	[dreg:$0x0] =	wrdreg $0x0  }
0xa9: {  	s6 =	sshll.u32 s28, $0x1;
	[dreg:$0x2] =	wrdreg s4  }
0xaa: {  	[dreg:$0x3] =	wrdreg s6  }
0xab: {  	[dreg:$0x4] =	wrdreg $0xC0  }
0xac: {  	_ =	task [dreg:s8], $0x5FFFF  }
0xad: {  	[dreg:$0x1] =	wrdreg $0xFFFFFFFF  }
0xae: {  	[dreg:$0x0] =	wrdreg $0x60  }
0xaf: {  	[dreg:$0x2] =	wrdreg s24  }
0xb0: {  	[dreg:$0x3] =	wrdreg s2  }
0xb1: {  	[dreg:$0x4] =	wrdreg s18  }
0xb2: {  	[dreg:$0x5] =	wrdreg $0x9  }
0xb3: {  	_ =	task.clear_ibuf [dreg:s8], $0x6FFFF;
	_ =	strace $0x90000046  }
0xb4: {  	s29 =	simm.s32 $0x9;
	_ =	strace $0x80000048  }
0xb5: {  	_ =	swait.ge [sflag:s29], $0x1  }
0xb6: {  	[sflag:s29] =	ssyncadd.s32 $0xFFFFFFFF  }
0xb7: {  	_ =	strace $0x90000048  }
0xb8: {  	_ =	sfence  }
0xb9: {  	s30 =	sld [smem:$0x0];
	_ =	sdelay $0x2  }
0xba: {  	s31 =	sshll.u32 s1, $0xD;
	s1 =	sshrl.u32 s1, $0x2  }
0xbb: {  	s3 =	sand.u32 $0x4000, s31;
	s1 =	sadd.s32 s1, s30  }
0xbc: {  	s0 =	sor.u32 s3, s0;
	s1 =	sshll.u32 s1, $0x11  }
0xbd: {  	s0 =	sor.u32 s1, s0  }
0xbe: {  	s0 =	sadd.s32 $0x8F2B, s0  }
0xbf: {  	[sflag:s0] =	ssyncadd.remote.s32 $0x1  }
0xc0: {  	_ =	sfence.sel $0xFFFF  }
0xc1: {  	[dreg:$0x0] =	wrdreg $0xFFFFFFFF;
	(pc) =	sbr.abs _section_cstart, $3  }
0xc2: {  	[dreg:$0x1] =	wrdreg $0xFFFFFFFF  }
0xc3: {  	_ =	task.clear_ibuf [dreg:s8], $0x2FFFF;
	_ =	strace $0x9FFFFFFF  }
0xc4: {  	(tm) =	ssettm $0x7FFFFFFF  }
0xc5: {  	_ =	shalt  }
tec
execute0_lowered:
.L_overlay_start_1:
0x0: {  	(tag) =	ssettag $0x1  }
0x1: {  	s1 =	rddreg [dreg:$0x0]  }
0x2: {  	s0 =	srdreg.scid;
	s2 =	rddreg [dreg:$0x1]  }
0x3: {  	s3 =	stileid.u32;
	s5 =	rddreg [dreg:$0x2]  }
0x4: {  	s13 =	simm.s32 $0x1;
	s30 =	simm.s32 $0x4;
	s31 =	simm.s32 $0x100  }
0x5: {  	s14 =	simm.s32 $0x13100;
	s15 =	simm.s32 $0x13900;
	s16 =	simm.s32 $0x14100  }
0x6: {  	s17 =	simm.s32 $0x14500;
	s18 =	simm.s32 $0x14D00;
	s0 =	sand.u32 $0x1, s0  }
0x7: {  	s28 =	simm.s32 $0x18D00;
	s3 =	sshll.u32 s3, $0x6;
	s4 =	sshll.u32 s0, $0x5  }
0x8: {  	s7 =	sadd.s32 $0x400, s2;
	s0 =	ssub.s32 $0x2, s0;
	s4 =	sor.u32 s4, s3  }
0x9: {  	s3 =	simm.s32 $0x0;
	s21 =	sshrl.u32 s0, $0x1;
	s6 =	smul.u32 $0x2400, s4  }
0xa: {  	[smem:$0x7FF] =	sst s3;
	s1 =	sadd.s32 s4, s1;
	s4 =	smul.u32 $0x480, s4  }
0xb: {  	_ =	strace $0x80000047;
	s1 =	sadd.s32 $0x400, s1;
	s6 =	sshrl.u32 s6, $0x3  }
0xc: {  	[dreg:$0x4] =	wrdreg s1;
	s19 =	sadd.s32 s5, s4;
	s8 =	sadd.s32 s5, s6  }
0xd: {  	s0 =	ssub.s32 s0, s21;
	[dreg:$0x5] =	wrdreg s19;
	s20 =	sadd.s32 $0x1200, s8  }
0xe: {  	s21 =	simm.s32 $0x16500;
	s22 =	sadd.s32 $0x2400, s8;
	[dreg:$0x6] =	wrdreg s20  }
0xf: {  	s4 =	sadd.s32 $0x100, s2;
	s23 =	sadd.s32 $0x3600, s8;
	[dreg:$0x7] =	wrdreg s22  }
0x10: {  	s1 =	simm.s32 $0x2;
	s24 =	sadd.s32 $0x4800, s8;
	[dreg:$0x8] =	wrdreg s23  }
0x11: {  	s5 =	sadd.s32 $0x200, s2;
	s25 =	sadd.s32 $0x5A00, s8;
	[dreg:$0x9] =	wrdreg s24  }
0x12: {  	s6 =	sadd.s32 $0x300, s2;
	s26 =	sadd.s32 $0x6C00, s8;
	[dreg:$0xa] =	wrdreg s25  }
0x13: {  	s19 =	simm.s32 $0x15500;
	s29 =	sadd.s32 $0x7E00, s8;
	[dreg:$0xb] =	wrdreg s26  }
0x14: {  	v2 =	vlaneseq.u32;
	s8 =	smax.u32 s0, $0x1;
	s0 =	simm.s32 $0x5;
	[dreg:$0xc] =	wrdreg s29  }
0x15: {  	vm0 =	vmmov $0xffff;
	vm1 =	vmmov $0xff;
	v1 =	vshrl.u32 v2, $0x3;
	s20 =	simm.s32 $0x15D00;
	s22 =	simm.s32 $0x16900;
	s23 =	simm.s32 $0x17100  }
0x16: {  	v0 =	vand.u32 $0x7, v2;
	v2 =	vor.u32 $0x8, v2;
	v1 =	vmul.u32 $0x8, v1;
	s24 =	simm.s32 $0x17900;
	s25 =	simm.s32 $0x18100;
	s26 =	simm.s32 $0x18900  }
.LBB2_1:
0x17: {  	s12 =	rddreg [dreg:$0x4];
	s11 =	simm.s32 $0x7  }
0x18: {  	[tilespmem:s3], [sflag:$0x7] =	stream.linear.gather [hbm4b:s12+s3], $0x100, $0x38;
	[tilespmem:$0x1B100] =	vst v63  }
0x19: {  	_ =	swait.ge [sflag:s11], $0x100  }
0x1a: {  	[sflag:s11] =	ssyncset.done $0x0  }
0x1b: {  	[sflag:s11] =	ssyncadd.s32 $0xFFFFFF00  }
0x1c: {  	v3 =	vld [tilespmem:$0x0];
	_ =	sdelay $0x4  }
0x1d: {  	v4 =	vshrl.u32 v3, $0x3  }
0x1e: {  	v4 =	vmul.u32 $0x48, v4  }
0x1f: {  	v3 =	vand.u32 $0x7, v3  }
0x20: {  	v3 =	vor.u32 v3, v4  }
0x21: {  	v4 =	vperm.xlane v3, v0;
	_ =	sdelay $0x1  }
0x22: {  	v4 =	vadd.s32 v1, v4;
	_ =	sdelay $0x4  }
0x23: {  	[tilespmem:s31], [sflag:$0x1] =	stream.indirect_vreg.gather [hbm4b:s2+s3], $0x80, v4, vm0, $0xb8;
	[tilespmem:$0x1B100] =	vst v63  }
0x24: {  	s9 =	simm.s32 $0x900  }
0x25: {  	[tilespmem:s9], [sflag:$0x1] =	stream.indirect_vreg.gather [hbm4b:s4+s3], $0x80, v4, vm0, $0xb8;
	[tilespmem:$0x1B100] =	vst v63  }
0x26: {  	s29 =	simm.s32 $0x1100;
	v3 =	vperm.xlane v3, v2  }
0x27: {  	[tilespmem:s29], [sflag:$0x1] =	stream.indirect_vreg.gather [hbm4b:s5+s3], $0x80, v4, vm0, $0xb8;
	[tilespmem:$0x1B100] =	vst v63  }
0x28: {  	s10 =	simm.s32 $0x1900;
	v3 =	vadd.s32 v1, v3  }
0x29: {  	[tilespmem:s10], [sflag:$0x1] =	stream.indirect_vreg.gather [hbm4b:s6+s3], $0x80, v4, vm0, $0xb8;
	[tilespmem:$0x1B100] =	vst v63  }
0x2a: {  	s12 =	simm.s32 $0x2100  }
0x2b: {  	[tilespmem:s12], [sflag:$0x1] =	stream.indirect_vreg.gather [hbm4b:s7+s3], $0x80, v4, vm1, $0xb8;
	[tilespmem:$0x1B100] =	vst v63  }
0x2c: {  	s10 =	simm.s32 $0x2500  }
0x2d: {  	[tilespmem:s10], [sflag:$0x1] =	stream.indirect_vreg.gather [hbm4b:s2+s3], $0x80, v3, vm0, $0xb8;
	[tilespmem:$0x1B100] =	vst v63  }
0x2e: {  	s12 =	simm.s32 $0x2D00  }
0x2f: {  	[tilespmem:s12], [sflag:$0x1] =	stream.indirect_vreg.gather [hbm4b:s4+s3], $0x80, v3, vm0, $0xb8;
	[tilespmem:$0x1B100] =	vst v63  }
0x30: {  	s10 =	simm.s32 $0x3500  }
0x31: {  	[tilespmem:s10], [sflag:$0x1] =	stream.indirect_vreg.gather [hbm4b:s5+s3], $0x80, v3, vm0, $0xb8;
	[tilespmem:$0x1B100] =	vst v63  }
0x32: {  	s12 =	simm.s32 $0x3D00  }
0x33: {  	[tilespmem:s12], [sflag:$0x1] =	stream.indirect_vreg.gather [hbm4b:s6+s3], $0x80, v3, vm0, $0xb8;
	[tilespmem:$0x1B100] =	vst v63  }
0x34: {  	s10 =	simm.s32 $0x4500  }
0x35: {  	[tilespmem:s10], [sflag:$0x1] =	stream.indirect_vreg.gather [hbm4b:s7+s3], $0x80, v3, vm1, $0xb8;
	[tilespmem:$0x1B100] =	vst v63  }
0x36: {  	v3 =	vld [tilespmem:$0x10];
	_ =	sdelay $0x4  }
0x37: {  	v49 =	vshrl.u32 v3, $0x3  }
0x38: {  	v4 =	vmul.u32 $0x48, v49  }
0x39: {  	v3 =	vand.u32 $0x7, v3  }
0x3a: {  	v3 =	vor.u32 v3, v4  }
0x3b: {  	v4 =	vperm.xlane v3, v0;
	_ =	sdelay $0x1  }
0x3c: {  	v4 =	vadd.s32 v1, v4;
	_ =	sdelay $0x3  }
0x3d: {  	s12 =	simm.s32 $0x4900  }
0x3e: {  	[tilespmem:s12], [sflag:$0x1] =	stream.indirect_vreg.gather [hbm4b:s2+s3], $0x80, v4, vm0, $0xb8;
	[tilespmem:$0x1B100] =	vst v63  }
0x3f: {  	s10 =	simm.s32 $0x5100  }
0x40: {  	[tilespmem:s10], [sflag:$0x1] =	stream.indirect_vreg.gather [hbm4b:s4+s3], $0x80, v4, vm0, $0xb8;
	[tilespmem:$0x1B100] =	vst v63  }
0x41: {  	v3 =	vperm.xlane v3, v2;
	s12 =	simm.s32 $0x5900  }
0x42: {  	[tilespmem:s12], [sflag:$0x1] =	stream.indirect_vreg.gather [hbm4b:s5+s3], $0x80, v4, vm0, $0xb8;
	[tilespmem:$0x1B100] =	vst v63  }
0x43: {  	v3 =	vadd.s32 v1, v3;
	s10 =	simm.s32 $0x6100  }
0x44: {  	[tilespmem:s10], [sflag:$0x1] =	stream.indirect_vreg.gather [hbm4b:s6+s3], $0x80, v4, vm0, $0xb8;
	[tilespmem:$0x1B100] =	vst v63  }
0x45: {  	s12 =	simm.s32 $0x6900  }
0x46: {  	[tilespmem:s12], [sflag:$0x1] =	stream.indirect_vreg.gather [hbm4b:s7+s3], $0x80, v4, vm1, $0xb8;
	[tilespmem:$0x1B100] =	vst v63  }
0x47: {  	s10 =	simm.s32 $0x6D00  }
0x48: {  	[tilespmem:s10], [sflag:$0x1] =	stream.indirect_vreg.gather [hbm4b:s2+s3], $0x80, v3, vm0, $0xb8;
	[tilespmem:$0x1B100] =	vst v63  }
0x49: {  	s12 =	simm.s32 $0x7500  }
0x4a: {  	[tilespmem:s12], [sflag:$0x1] =	stream.indirect_vreg.gather [hbm4b:s4+s3], $0x80, v3, vm0, $0xb8;
	[tilespmem:$0x1B100] =	vst v63  }
0x4b: {  	s10 =	simm.s32 $0x7D00  }
0x4c: {  	[tilespmem:s10], [sflag:$0x1] =	stream.indirect_vreg.gather [hbm4b:s5+s3], $0x80, v3, vm0, $0xb8;
	[tilespmem:$0x1B100] =	vst v63  }
0x4d: {  	s12 =	simm.s32 $0x8500  }
0x4e: {  	[tilespmem:s12], [sflag:$0x1] =	stream.indirect_vreg.gather [hbm4b:s6+s3], $0x80, v3, vm0, $0xb8;
	[tilespmem:$0x1B100] =	vst v63  }
0x4f: {  	s10 =	simm.s32 $0x8D00  }
0x50: {  	[tilespmem:s10], [sflag:$0x1] =	stream.indirect_vreg.gather [hbm4b:s7+s3], $0x80, v3, vm1, $0xb8;
	[tilespmem:$0x1B100] =	vst v63  }
0x51: {  	v3 =	vld [tilespmem:$0x20];
	_ =	sdelay $0x4  }
0x52: {  	v50 =	vshrl.u32 v3, $0x3  }
0x53: {  	v4 =	vmul.u32 $0x48, v50  }
0x54: {  	v3 =	vand.u32 $0x7, v3  }
0x55: {  	v3 =	vor.u32 v3, v4  }
0x56: {  	v4 =	vperm.xlane v3, v0;
	_ =	sdelay $0x1  }
0x57: {  	v4 =	vadd.s32 v1, v4;
	_ =	sdelay $0x3  }
0x58: {  	s9 =	simm.s32 $0x9100  }
0x59: {  	[tilespmem:s9], [sflag:$0x2] =	stream.indirect_vreg.gather [hbm4b:s2+s3], $0x80, v4, vm0, $0xb8;
	[tilespmem:$0x1B100] =	vst v63  }
0x5a: {  	s10 =	simm.s32 $0x9900  }
0x5b: {  	[tilespmem:s10], [sflag:$0x2] =	stream.indirect_vreg.gather [hbm4b:s4+s3], $0x80, v4, vm0, $0xb8;
	[tilespmem:$0x1B100] =	vst v63  }
0x5c: {  	s12 =	simm.s32 $0xA100;
	v3 =	vperm.xlane v3, v2  }
0x5d: {  	[tilespmem:s12], [sflag:$0x2] =	stream.indirect_vreg.gather [hbm4b:s5+s3], $0x80, v4, vm0, $0xb8;
	[tilespmem:$0x1B100] =	vst v63  }
0x5e: {  	v3 =	vadd.s32 v1, v3;
	s12 =	simm.s32 $0xA900  }
0x5f: {  	[tilespmem:s12], [sflag:$0x2] =	stream.indirect_vreg.gather [hbm4b:s6+s3], $0x80, v4, vm0, $0xb8;
	[tilespmem:$0x1B100] =	vst v63  }
0x60: {  	s12 =	simm.s32 $0xB100  }
0x61: {  	[tilespmem:s12], [sflag:$0x2] =	stream.indirect_vreg.gather [hbm4b:s7+s3], $0x80, v4, vm1, $0xb8;
	[tilespmem:$0x1B100] =	vst v63  }
0x62: {  	s12 =	simm.s32 $0xB500  }
0x63: {  	[tilespmem:s12], [sflag:$0x2] =	stream.indirect_vreg.gather [hbm4b:s2+s3], $0x80, v3, vm0, $0xb8;
	[tilespmem:$0x1B100] =	vst v63  }
0x64: {  	s12 =	simm.s32 $0xBD00  }
0x65: {  	[tilespmem:s12], [sflag:$0x2] =	stream.indirect_vreg.gather [hbm4b:s4+s3], $0x80, v3, vm0, $0xb8;
	[tilespmem:$0x1B100] =	vst v63  }
0x66: {  	s12 =	simm.s32 $0xC500  }
0x67: {  	[tilespmem:s12], [sflag:$0x2] =	stream.indirect_vreg.gather [hbm4b:s5+s3], $0x80, v3, vm0, $0xb8;
	[tilespmem:$0x1B100] =	vst v63  }
0x68: {  	s12 =	simm.s32 $0xCD00  }
0x69: {  	[tilespmem:s12], [sflag:$0x2] =	stream.indirect_vreg.gather [hbm4b:s6+s3], $0x80, v3, vm0, $0xb8;
	[tilespmem:$0x1B100] =	vst v63  }
0x6a: {  	s12 =	simm.s32 $0xD500  }
0x6b: {  	[tilespmem:s12], [sflag:$0x2] =	stream.indirect_vreg.gather [hbm4b:s7+s3], $0x80, v3, vm1, $0xb8;
	[tilespmem:$0x1B100] =	vst v63  }
0x6c: {  	v3 =	vld [tilespmem:$0x30];
	_ =	sdelay $0x4  }
0x6d: {  	v51 =	vshrl.u32 v3, $0x3  }
0x6e: {  	v4 =	vmul.u32 $0x48, v51  }
0x6f: {  	v3 =	vand.u32 $0x7, v3  }
0x70: {  	v3 =	vor.u32 v3, v4  }
0x71: {  	v4 =	vperm.xlane v3, v0;
	_ =	sdelay $0x1  }
0x72: {  	v4 =	vadd.s32 v1, v4;
	_ =	sdelay $0x3  }
0x73: {  	s12 =	simm.s32 $0xD900  }
0x74: {  	[tilespmem:s12], [sflag:$0x2] =	stream.indirect_vreg.gather [hbm4b:s2+s3], $0x80, v4, vm0, $0xb8;
	[tilespmem:$0x1B100] =	vst v63  }
0x75: {  	s12 =	simm.s32 $0xE100  }
0x76: {  	[tilespmem:s12], [sflag:$0x2] =	stream.indirect_vreg.gather [hbm4b:s4+s3], $0x80, v4, vm0, $0xb8;
	[tilespmem:$0x1B100] =	vst v63  }
0x77: {  	v3 =	vperm.xlane v3, v2;
	s12 =	simm.s32 $0xE900  }
0x78: {  	[tilespmem:s12], [sflag:$0x2] =	stream.indirect_vreg.gather [hbm4b:s5+s3], $0x80, v4, vm0, $0xb8;
	[tilespmem:$0x1B100] =	vst v63  }
0x79: {  	v3 =	vadd.s32 v1, v3;
	s12 =	simm.s32 $0xF100  }
0x7a: {  	[tilespmem:s12], [sflag:$0x2] =	stream.indirect_vreg.gather [hbm4b:s6+s3], $0x80, v4, vm0, $0xb8;
	[tilespmem:$0x1B100] =	vst v63  }
0x7b: {  	s12 =	simm.s32 $0xF900  }
0x7c: {  	[tilespmem:s12], [sflag:$0x2] =	stream.indirect_vreg.gather [hbm4b:s7+s3], $0x80, v4, vm1, $0xb8;
	[tilespmem:$0x1B100] =	vst v63  }
0x7d: {  	s12 =	simm.s32 $0xFD00  }
0x7e: {  	[tilespmem:s12], [sflag:$0x2] =	stream.indirect_vreg.gather [hbm4b:s2+s3], $0x80, v3, vm0, $0xb8;
	[tilespmem:$0x1B100] =	vst v63  }
0x7f: {  	s12 =	simm.s32 $0x10500  }
0x80: {  	[tilespmem:s12], [sflag:$0x2] =	stream.indirect_vreg.gather [hbm4b:s4+s3], $0x80, v3, vm0, $0xb8;
	[tilespmem:$0x1B100] =	vst v63  }
0x81: {  	s12 =	simm.s32 $0x10D00  }
0x82: {  	[tilespmem:s12], [sflag:$0x2] =	stream.indirect_vreg.gather [hbm4b:s5+s3], $0x80, v3, vm0, $0xb8;
	[tilespmem:$0x1B100] =	vst v63  }
0x83: {  	s12 =	simm.s32 $0x11500  }
0x84: {  	[tilespmem:s12], [sflag:$0x2] =	stream.indirect_vreg.gather [hbm4b:s6+s3], $0x80, v3, vm0, $0xb8;
	[tilespmem:$0x1B100] =	vst v63  }
0x85: {  	s12 =	simm.s32 $0x11D00  }
0x86: {  	[tilespmem:s12], [sflag:$0x2] =	stream.indirect_vreg.gather [hbm4b:s7+s3], $0x80, v3, vm1, $0xb8;
	[tilespmem:$0x1B100] =	vst v63  }
0x87: {  	v3 =	vld [tilespmem:$0x40];
	_ =	sdelay $0x4  }
0x88: {  	v52 =	vshrl.u32 v3, $0x3  }
0x89: {  	v4 =	vmul.u32 $0x48, v52  }
0x8a: {  	v3 =	vand.u32 $0x7, v3  }
0x8b: {  	v3 =	vor.u32 v3, v4  }
0x8c: {  	v4 =	vperm.xlane v3, v0;
	_ =	sdelay $0x1  }
0x8d: {  	v4 =	vadd.s32 v1, v4;
	_ =	sdelay $0x3  }
0x8e: {  	s12 =	simm.s32 $0x12100  }
0x8f: {  	[tilespmem:s12], [sflag:$0x3] =	stream.indirect_vreg.gather [hbm4b:s2+s3], $0x80, v4, vm0, $0xb8;
	[tilespmem:$0x1B100] =	vst v63  }
0x90: {  	s12 =	simm.s32 $0x12900  }
0x91: {  	[tilespmem:s12], [sflag:$0x3] =	stream.indirect_vreg.gather [hbm4b:s4+s3], $0x80, v4, vm0, $0xb8;
	[tilespmem:$0x1B100] =	vst v63  }
0x92: {  	v3 =	vperm.xlane v3, v2  }
0x93: {  	[tilespmem:s14], [sflag:$0x3] =	stream.indirect_vreg.gather [hbm4b:s5+s3], $0x80, v4, vm0, $0xb8;
	[tilespmem:$0x1B100] =	vst v63  }
0x94: {  	v3 =	vadd.s32 v1, v3  }
0x95: {  	[tilespmem:s15], [sflag:$0x3] =	stream.indirect_vreg.gather [hbm4b:s6+s3], $0x80, v4, vm0, $0xb8;
	[tilespmem:$0x1B100] =	vst v63  }
0x96: {  	_ = 	snop  }
0x97: {  	[tilespmem:s16], [sflag:$0x3] =	stream.indirect_vreg.gather [hbm4b:s7+s3], $0x80, v4, vm1, $0xb8;
	[tilespmem:$0x1B100] =	vst v63  }
0x98: {  	_ = 	snop  }
0x99: {  	[tilespmem:s17], [sflag:$0x3] =	stream.indirect_vreg.gather [hbm4b:s2+s3], $0x80, v3, vm0, $0xb8;
	[tilespmem:$0x1B100] =	vst v63  }
0x9a: {  	_ = 	snop  }
0x9b: {  	[tilespmem:s18], [sflag:$0x3] =	stream.indirect_vreg.gather [hbm4b:s4+s3], $0x80, v3, vm0, $0xb8;
	[tilespmem:$0x1B100] =	vst v63  }
0x9c: {  	_ = 	snop  }
0x9d: {  	[tilespmem:s19], [sflag:$0x3] =	stream.indirect_vreg.gather [hbm4b:s5+s3], $0x80, v3, vm0, $0xb8;
	[tilespmem:$0x1B100] =	vst v63  }
0x9e: {  	_ = 	snop  }
0x9f: {  	[tilespmem:s20], [sflag:$0x3] =	stream.indirect_vreg.gather [hbm4b:s6+s3], $0x80, v3, vm0, $0xb8;
	[tilespmem:$0x1B100] =	vst v63  }
0xa0: {  	_ = 	snop  }
0xa1: {  	[tilespmem:s21], [sflag:$0x3] =	stream.indirect_vreg.gather [hbm4b:s7+s3], $0x80, v3, vm1, $0xb8;
	[tilespmem:$0x1B100] =	vst v63  }
0xa2: {  	v3 =	vld [tilespmem:$0x50];
	_ =	sdelay $0x4  }
0xa3: {  	v53 =	vshrl.u32 v3, $0x3  }
0xa4: {  	v4 =	vmul.u32 $0x48, v53  }
0xa5: {  	v3 =	vand.u32 $0x7, v3  }
0xa6: {  	v3 =	vor.u32 v3, v4  }
0xa7: {  	v4 =	vperm.xlane v3, v0;
	_ =	sdelay $0x1  }
0xa8: {  	v4 =	vadd.s32 v1, v4;
	_ =	sdelay $0x4  }
0xa9: {  	[tilespmem:s22], [sflag:$0x3] =	stream.indirect_vreg.gather [hbm4b:s2+s3], $0x80, v4, vm0, $0xb8;
	[tilespmem:$0x1B100] =	vst v63  }
0xaa: {  	_ = 	snop  }
0xab: {  	[tilespmem:s23], [sflag:$0x3] =	stream.indirect_vreg.gather [hbm4b:s4+s3], $0x80, v4, vm0, $0xb8;
	[tilespmem:$0x1B100] =	vst v63  }
0xac: {  	v3 =	vperm.xlane v3, v2  }
0xad: {  	[tilespmem:s24], [sflag:$0x3] =	stream.indirect_vreg.gather [hbm4b:s5+s3], $0x80, v4, vm0, $0xb8;
	[tilespmem:$0x1B100] =	vst v63  }
0xae: {  	v3 =	vadd.s32 v1, v3  }
0xaf: {  	[tilespmem:s25], [sflag:$0x3] =	stream.indirect_vreg.gather [hbm4b:s6+s3], $0x80, v4, vm0, $0xb8;
	[tilespmem:$0x1B100] =	vst v63  }
0xb0: {  	_ = 	snop  }
0xb1: {  	[tilespmem:s26], [sflag:$0x3] =	stream.indirect_vreg.gather [hbm4b:s7+s3], $0x80, v4, vm1, $0xb8;
	[tilespmem:$0x1B100] =	vst v63  }
0xb2: {  	_ = 	snop  }
0xb3: {  	[tilespmem:s28], [sflag:$0x3] =	stream.indirect_vreg.gather [hbm4b:s2+s3], $0x80, v3, vm0, $0xb8;
	[tilespmem:$0x1B100] =	vst v63  }
0xb4: {  	s12 =	simm.s32 $0x19500  }
0xb5: {  	[tilespmem:s12], [sflag:$0x3] =	stream.indirect_vreg.gather [hbm4b:s4+s3], $0x80, v3, vm0, $0xb8;
	[tilespmem:$0x1B100] =	vst v63  }
0xb6: {  	s12 =	simm.s32 $0x19D00  }
0xb7: {  	[tilespmem:s12], [sflag:$0x3] =	stream.indirect_vreg.gather [hbm4b:s5+s3], $0x80, v3, vm0, $0xb8;
	[tilespmem:$0x1B100] =	vst v63  }
0xb8: {  	s12 =	simm.s32 $0x1A500  }
0xb9: {  	[tilespmem:s12], [sflag:$0x3] =	stream.indirect_vreg.gather [hbm4b:s6+s3], $0x80, v3, vm0, $0xb8;
	[tilespmem:$0x1B100] =	vst v63  }
0xba: {  	s12 =	simm.s32 $0x1AD00  }
0xbb: {  	[tilespmem:s12], [sflag:$0x3] =	stream.indirect_vreg.gather [hbm4b:s7+s3], $0x80, v3, vm1, $0xb8;
	[tilespmem:$0x1B100] =	vst v63  }
0xbc: {  	_ =	swait.ge [sflag:s13], $0x9000  }
0xbd: {  	[sflag:s13] =	ssyncset.done $0x0  }
0xbe: {  	s10 =	rddreg [dreg:$0x5];
	[sflag:s13] =	ssyncadd.s32 $0xFFFF7000  }
0xbf: {  	[hbm4b:s10+s3] =	stream.linear.scatter [tilespmem:s31], [sflag:$0x4], $0x9000, $0x38;
	[tilespmem:$0x1B100] =	vst v63  }
0xc0: {  	_ =	swait.ge [sflag:s30], $0x9000  }
0xc1: {  	[sflag:s30] =	ssyncset.done $0x0  }
0xc2: {  	[sflag:s30] =	ssyncadd.s32 $0xFFFF7000  }
0xc3: {  	v3 =	vld [tilespmem:$0x60];
	_ =	sdelay $0x4  }
0xc4: {  	v54 =	vshrl.u32 v3, $0x3  }
0xc5: {  	v4 =	vmul.u32 $0x48, v54  }
0xc6: {  	v3 =	vand.u32 $0x7, v3  }
0xc7: {  	v3 =	vor.u32 v3, v4  }
0xc8: {  	v4 =	vperm.xlane v3, v0;
	_ =	sdelay $0x1  }
0xc9: {  	v4 =	vadd.s32 v1, v4;
	_ =	sdelay $0x4  }
0xca: {  	[tilespmem:s31], [sflag:$0x1] =	stream.indirect_vreg.gather [hbm4b:s2+s3], $0x80, v4, vm0, $0xb8;
	[tilespmem:$0x1B100] =	vst v63  }
0xcb: {  	s11 =	simm.s32 $0x900  }
0xcc: {  	[tilespmem:s11], [sflag:$0x1] =	stream.indirect_vreg.gather [hbm4b:s4+s3], $0x80, v4, vm0, $0xb8;
	[tilespmem:$0x1B100] =	vst v63  }
0xcd: {  	s29 =	simm.s32 $0x1100;
	v3 =	vperm.xlane v3, v2  }
0xce: {  	[tilespmem:s29], [sflag:$0x1] =	stream.indirect_vreg.gather [hbm4b:s5+s3], $0x80, v4, vm0, $0xb8;
	[tilespmem:$0x1B100] =	vst v63  }
0xcf: {  	s12 =	simm.s32 $0x1900;
	v3 =	vadd.s32 v1, v3  }
0xd0: {  	[tilespmem:s12], [sflag:$0x1] =	stream.indirect_vreg.gather [hbm4b:s6+s3], $0x80, v4, vm0, $0xb8;
	[tilespmem:$0x1B100] =	vst v63  }
0xd1: {  	s29 =	simm.s32 $0x2100  }
0xd2: {  	[tilespmem:s29], [sflag:$0x1] =	stream.indirect_vreg.gather [hbm4b:s7+s3], $0x80, v4, vm1, $0xb8;
	[tilespmem:$0x1B100] =	vst v63  }
0xd3: {  	s11 =	simm.s32 $0x2500  }
0xd4: {  	[tilespmem:s11], [sflag:$0x1] =	stream.indirect_vreg.gather [hbm4b:s2+s3], $0x80, v3, vm0, $0xb8;
	[tilespmem:$0x1B100] =	vst v63  }
0xd5: {  	s12 =	simm.s32 $0x2D00  }
0xd6: {  	[tilespmem:s12], [sflag:$0x1] =	stream.indirect_vreg.gather [hbm4b:s4+s3], $0x80, v3, vm0, $0xb8;
	[tilespmem:$0x1B100] =	vst v63  }
0xd7: {  	s29 =	simm.s32 $0x3500  }
0xd8: {  	[tilespmem:s29], [sflag:$0x1] =	stream.indirect_vreg.gather [hbm4b:s5+s3], $0x80, v3, vm0, $0xb8;
	[tilespmem:$0x1B100] =	vst v63  }
0xd9: {  	s11 =	simm.s32 $0x3D00  }
0xda: {  	[tilespmem:s11], [sflag:$0x1] =	stream.indirect_vreg.gather [hbm4b:s6+s3], $0x80, v3, vm0, $0xb8;
	[tilespmem:$0x1B100] =	vst v63  }
0xdb: {  	s12 =	simm.s32 $0x4500  }
0xdc: {  	[tilespmem:s12], [sflag:$0x1] =	stream.indirect_vreg.gather [hbm4b:s7+s3], $0x80, v3, vm1, $0xb8;
	[tilespmem:$0x1B100] =	vst v63  }
0xdd: {  	v3 =	vld [tilespmem:$0x70];
	_ =	sdelay $0x4  }
0xde: {  	v55 =	vshrl.u32 v3, $0x3  }
0xdf: {  	v4 =	vmul.u32 $0x48, v55  }
0xe0: {  	v3 =	vand.u32 $0x7, v3  }
0xe1: {  	v3 =	vor.u32 v3, v4  }
0xe2: {  	v4 =	vperm.xlane v3, v0;
	_ =	sdelay $0x1  }
0xe3: {  	v4 =	vadd.s32 v1, v4;
	_ =	sdelay $0x3  }
0xe4: {  	s29 =	simm.s32 $0x4900  }
0xe5: {  	[tilespmem:s29], [sflag:$0x1] =	stream.indirect_vreg.gather [hbm4b:s2+s3], $0x80, v4, vm0, $0xb8;
	[tilespmem:$0x1B100] =	vst v63  }
0xe6: {  	s11 =	simm.s32 $0x5100  }
0xe7: {  	[tilespmem:s11], [sflag:$0x1] =	stream.indirect_vreg.gather [hbm4b:s4+s3], $0x80, v4, vm0, $0xb8;
	[tilespmem:$0x1B100] =	vst v63  }
0xe8: {  	s12 =	simm.s32 $0x5900;
	v3 =	vperm.xlane v3, v2  }
0xe9: {  	[tilespmem:s12], [sflag:$0x1] =	stream.indirect_vreg.gather [hbm4b:s5+s3], $0x80, v4, vm0, $0xb8;
	[tilespmem:$0x1B100] =	vst v63  }
0xea: {  	v3 =	vadd.s32 v1, v3;
	s29 =	simm.s32 $0x6100  }
0xeb: {  	[tilespmem:s29], [sflag:$0x1] =	stream.indirect_vreg.gather [hbm4b:s6+s3], $0x80, v4, vm0, $0xb8;
	[tilespmem:$0x1B100] =	vst v63  }
0xec: {  	s11 =	simm.s32 $0x6900  }
0xed: {  	[tilespmem:s11], [sflag:$0x1] =	stream.indirect_vreg.gather [hbm4b:s7+s3], $0x80, v4, vm1, $0xb8;
	[tilespmem:$0x1B100] =	vst v63  }
0xee: {  	s12 =	simm.s32 $0x6D00  }
0xef: {  	[tilespmem:s12], [sflag:$0x1] =	stream.indirect_vreg.gather [hbm4b:s2+s3], $0x80, v3, vm0, $0xb8;
	[tilespmem:$0x1B100] =	vst v63  }
0xf0: {  	s29 =	simm.s32 $0x7500  }
0xf1: {  	[tilespmem:s29], [sflag:$0x1] =	stream.indirect_vreg.gather [hbm4b:s4+s3], $0x80, v3, vm0, $0xb8;
	[tilespmem:$0x1B100] =	vst v63  }
0xf2: {  	s11 =	simm.s32 $0x7D00  }
0xf3: {  	[tilespmem:s11], [sflag:$0x1] =	stream.indirect_vreg.gather [hbm4b:s5+s3], $0x80, v3, vm0, $0xb8;
	[tilespmem:$0x1B100] =	vst v63  }
0xf4: {  	s12 =	simm.s32 $0x8500  }
0xf5: {  	[tilespmem:s12], [sflag:$0x1] =	stream.indirect_vreg.gather [hbm4b:s6+s3], $0x80, v3, vm0, $0xb8;
	[tilespmem:$0x1B100] =	vst v63  }
0xf6: {  	s29 =	simm.s32 $0x8D00  }
0xf7: {  	[tilespmem:s29], [sflag:$0x1] =	stream.indirect_vreg.gather [hbm4b:s7+s3], $0x80, v3, vm1, $0xb8;
	[tilespmem:$0x1B100] =	vst v63  }
0xf8: {  	_ =	swait.ge [sflag:s1], $0x9000  }
0xf9: {  	[sflag:s1] =	ssyncset.done $0x0  }
0xfa: {  	s11 =	rddreg [dreg:$0x6];
	[sflag:s1] =	ssyncadd.s32 $0xFFFF7000  }
0xfb: {  	[hbm4b:s11+s3] =	stream.linear.scatter [tilespmem:s9], [sflag:$0x5], $0x9000, $0x38;
	[tilespmem:$0x1B100] =	vst v63  }
0xfc: {  	_ =	swait.ge [sflag:s0], $0x9000  }
0xfd: {  	[sflag:s0] =	ssyncset.done $0x0  }
0xfe: {  	[sflag:s0] =	ssyncadd.s32 $0xFFFF7000  }
0xff: {  	v3 =	vld [tilespmem:$0x80];
	_ =	sdelay $0x4  }
0x100: {  	v56 =	vshrl.u32 v3, $0x3  }
0x101: {  	v4 =	vmul.u32 $0x48, v56  }
0x102: {  	v3 =	vand.u32 $0x7, v3  }
0x103: {  	v3 =	vor.u32 v3, v4  }
0x104: {  	v4 =	vperm.xlane v3, v0;
	_ =	sdelay $0x1  }
0x105: {  	v4 =	vadd.s32 v1, v4;
	_ =	sdelay $0x4  }
0x106: {  	[tilespmem:s9], [sflag:$0x2] =	stream.indirect_vreg.gather [hbm4b:s2+s3], $0x80, v4, vm0, $0xb8;
	[tilespmem:$0x1B100] =	vst v63  }
0x107: {  	s29 =	simm.s32 $0x9900  }
0x108: {  	[tilespmem:s29], [sflag:$0x2] =	stream.indirect_vreg.gather [hbm4b:s4+s3], $0x80, v4, vm0, $0xb8;
	[tilespmem:$0x1B100] =	vst v63  }
0x109: {  	s11 =	simm.s32 $0xA100;
	v3 =	vperm.xlane v3, v2  }
0x10a: {  	[tilespmem:s11], [sflag:$0x2] =	stream.indirect_vreg.gather [hbm4b:s5+s3], $0x80, v4, vm0, $0xb8;
	[tilespmem:$0x1B100] =	vst v63  }
0x10b: {  	s12 =	simm.s32 $0xA900;
	v3 =	vadd.s32 v1, v3  }
0x10c: {  	[tilespmem:s12], [sflag:$0x2] =	stream.indirect_vreg.gather [hbm4b:s6+s3], $0x80, v4, vm0, $0xb8;
	[tilespmem:$0x1B100] =	vst v63  }
0x10d: {  	s29 =	simm.s32 $0xB100  }
0x10e: {  	[tilespmem:s29], [sflag:$0x2] =	stream.indirect_vreg.gather [hbm4b:s7+s3], $0x80, v4, vm1, $0xb8;
	[tilespmem:$0x1B100] =	vst v63  }
0x10f: {  	s11 =	simm.s32 $0xB500  }
0x110: {  	[tilespmem:s11], [sflag:$0x2] =	stream.indirect_vreg.gather [hbm4b:s2+s3], $0x80, v3, vm0, $0xb8;
	[tilespmem:$0x1B100] =	vst v63  }
0x111: {  	s12 =	simm.s32 $0xBD00  }
0x112: {  	[tilespmem:s12], [sflag:$0x2] =	stream.indirect_vreg.gather [hbm4b:s4+s3], $0x80, v3, vm0, $0xb8;
	[tilespmem:$0x1B100] =	vst v63  }
0x113: {  	s29 =	simm.s32 $0xC500  }
0x114: {  	[tilespmem:s29], [sflag:$0x2] =	stream.indirect_vreg.gather [hbm4b:s5+s3], $0x80, v3, vm0, $0xb8;
	[tilespmem:$0x1B100] =	vst v63  }
0x115: {  	s11 =	simm.s32 $0xCD00  }
0x116: {  	[tilespmem:s11], [sflag:$0x2] =	stream.indirect_vreg.gather [hbm4b:s6+s3], $0x80, v3, vm0, $0xb8;
	[tilespmem:$0x1B100] =	vst v63  }
0x117: {  	s12 =	simm.s32 $0xD500  }
0x118: {  	[tilespmem:s12], [sflag:$0x2] =	stream.indirect_vreg.gather [hbm4b:s7+s3], $0x80, v3, vm1, $0xb8;
	[tilespmem:$0x1B100] =	vst v63  }
0x119: {  	v3 =	vld [tilespmem:$0x90];
	_ =	sdelay $0x4  }
0x11a: {  	v57 =	vshrl.u32 v3, $0x3  }
0x11b: {  	v4 =	vmul.u32 $0x48, v57  }
0x11c: {  	v3 =	vand.u32 $0x7, v3  }
0x11d: {  	v3 =	vor.u32 v3, v4  }
0x11e: {  	v4 =	vperm.xlane v3, v0;
	_ =	sdelay $0x1  }
0x11f: {  	v4 =	vadd.s32 v1, v4;
	_ =	sdelay $0x3  }
0x120: {  	s29 =	simm.s32 $0xD900  }
0x121: {  	[tilespmem:s29], [sflag:$0x2] =	stream.indirect_vreg.gather [hbm4b:s2+s3], $0x80, v4, vm0, $0xb8;
	[tilespmem:$0x1B100] =	vst v63  }
0x122: {  	s11 =	simm.s32 $0xE100  }
0x123: {  	[tilespmem:s11], [sflag:$0x2] =	stream.indirect_vreg.gather [hbm4b:s4+s3], $0x80, v4, vm0, $0xb8;
	[tilespmem:$0x1B100] =	vst v63  }
0x124: {  	s12 =	simm.s32 $0xE900;
	v3 =	vperm.xlane v3, v2  }
0x125: {  	[tilespmem:s12], [sflag:$0x2] =	stream.indirect_vreg.gather [hbm4b:s5+s3], $0x80, v4, vm0, $0xb8;
	[tilespmem:$0x1B100] =	vst v63  }
0x126: {  	v3 =	vadd.s32 v1, v3;
	s29 =	simm.s32 $0xF100  }
0x127: {  	[tilespmem:s29], [sflag:$0x2] =	stream.indirect_vreg.gather [hbm4b:s6+s3], $0x80, v4, vm0, $0xb8;
	[tilespmem:$0x1B100] =	vst v63  }
0x128: {  	s11 =	simm.s32 $0xF900  }
0x129: {  	[tilespmem:s11], [sflag:$0x2] =	stream.indirect_vreg.gather [hbm4b:s7+s3], $0x80, v4, vm1, $0xb8;
	[tilespmem:$0x1B100] =	vst v63  }
0x12a: {  	s12 =	simm.s32 $0xFD00  }
0x12b: {  	[tilespmem:s12], [sflag:$0x2] =	stream.indirect_vreg.gather [hbm4b:s2+s3], $0x80, v3, vm0, $0xb8;
	[tilespmem:$0x1B100] =	vst v63  }
0x12c: {  	s29 =	simm.s32 $0x10500  }
0x12d: {  	[tilespmem:s29], [sflag:$0x2] =	stream.indirect_vreg.gather [hbm4b:s4+s3], $0x80, v3, vm0, $0xb8;
	[tilespmem:$0x1B100] =	vst v63  }
0x12e: {  	s11 =	simm.s32 $0x10D00  }
0x12f: {  	[tilespmem:s11], [sflag:$0x2] =	stream.indirect_vreg.gather [hbm4b:s5+s3], $0x80, v3, vm0, $0xb8;
	[tilespmem:$0x1B100] =	vst v63  }
0x130: {  	s12 =	simm.s32 $0x11500  }
0x131: {  	[tilespmem:s12], [sflag:$0x2] =	stream.indirect_vreg.gather [hbm4b:s6+s3], $0x80, v3, vm0, $0xb8;
	[tilespmem:$0x1B100] =	vst v63  }
0x132: {  	s29 =	simm.s32 $0x11D00  }
0x133: {  	[tilespmem:s29], [sflag:$0x2] =	stream.indirect_vreg.gather [hbm4b:s7+s3], $0x80, v3, vm1, $0xb8;
	[tilespmem:$0x1B100] =	vst v63  }
0x134: {  	s29 =	simm.s32 $0x3  }
0x135: {  	_ =	swait.ge [sflag:s29], $0x9000  }
0x136: {  	[sflag:s29] =	ssyncset.done $0x0  }
0x137: {  	s11 =	simm.s32 $0x12100;
	s10 =	rddreg [dreg:$0x7];
	[sflag:s29] =	ssyncadd.s32 $0xFFFF7000  }
0x138: {  	[hbm4b:s10+s3] =	stream.linear.scatter [tilespmem:s11], [sflag:$0x6], $0x9000, $0x38;
	[tilespmem:$0x1B100] =	vst v63  }
0x139: {  	s10 =	simm.s32 $0x6  }
0x13a: {  	_ =	swait.ge [sflag:s10], $0x9000  }
0x13b: {  	[sflag:s10] =	ssyncset.done $0x0  }
0x13c: {  	[sflag:s10] =	ssyncadd.s32 $0xFFFF7000  }
0x13d: {  	v3 =	vld [tilespmem:$0xA0];
	_ =	sdelay $0x4  }
0x13e: {  	v58 =	vshrl.u32 v3, $0x3  }
0x13f: {  	v4 =	vmul.u32 $0x48, v58  }
0x140: {  	v3 =	vand.u32 $0x7, v3  }
0x141: {  	v3 =	vor.u32 v3, v4  }
0x142: {  	v4 =	vperm.xlane v3, v0;
	_ =	sdelay $0x1  }
0x143: {  	v4 =	vadd.s32 v1, v4;
	_ =	sdelay $0x4  }
0x144: {  	[tilespmem:s11], [sflag:$0x3] =	stream.indirect_vreg.gather [hbm4b:s2+s3], $0x80, v4, vm0, $0xb8;
	[tilespmem:$0x1B100] =	vst v63  }
0x145: {  	s12 =	simm.s32 $0x12900  }
0x146: {  	[tilespmem:s12], [sflag:$0x3] =	stream.indirect_vreg.gather [hbm4b:s4+s3], $0x80, v4, vm0, $0xb8;
	[tilespmem:$0x1B100] =	vst v63  }
0x147: {  	v3 =	vperm.xlane v3, v2  }
0x148: {  	[tilespmem:s14], [sflag:$0x3] =	stream.indirect_vreg.gather [hbm4b:s5+s3], $0x80, v4, vm0, $0xb8;
	[tilespmem:$0x1B100] =	vst v63  }
0x149: {  	v3 =	vadd.s32 v1, v3  }
0x14a: {  	[tilespmem:s15], [sflag:$0x3] =	stream.indirect_vreg.gather [hbm4b:s6+s3], $0x80, v4, vm0, $0xb8;
	[tilespmem:$0x1B100] =	vst v63  }
0x14b: {  	_ = 	snop  }
0x14c: {  	[tilespmem:s16], [sflag:$0x3] =	stream.indirect_vreg.gather [hbm4b:s7+s3], $0x80, v4, vm1, $0xb8;
	[tilespmem:$0x1B100] =	vst v63  }
0x14d: {  	_ = 	snop  }
0x14e: {  	[tilespmem:s17], [sflag:$0x3] =	stream.indirect_vreg.gather [hbm4b:s2+s3], $0x80, v3, vm0, $0xb8;
	[tilespmem:$0x1B100] =	vst v63  }
0x14f: {  	_ = 	snop  }
0x150: {  	[tilespmem:s18], [sflag:$0x3] =	stream.indirect_vreg.gather [hbm4b:s4+s3], $0x80, v3, vm0, $0xb8;
	[tilespmem:$0x1B100] =	vst v63  }
0x151: {  	_ = 	snop  }
0x152: {  	[tilespmem:s19], [sflag:$0x3] =	stream.indirect_vreg.gather [hbm4b:s5+s3], $0x80, v3, vm0, $0xb8;
	[tilespmem:$0x1B100] =	vst v63  }
0x153: {  	_ = 	snop  }
0x154: {  	[tilespmem:s20], [sflag:$0x3] =	stream.indirect_vreg.gather [hbm4b:s6+s3], $0x80, v3, vm0, $0xb8;
	[tilespmem:$0x1B100] =	vst v63  }
0x155: {  	_ = 	snop  }
0x156: {  	[tilespmem:s21], [sflag:$0x3] =	stream.indirect_vreg.gather [hbm4b:s7+s3], $0x80, v3, vm1, $0xb8;
	[tilespmem:$0x1B100] =	vst v63  }
0x157: {  	v3 =	vld [tilespmem:$0xB0];
	_ =	sdelay $0x4  }
0x158: {  	v59 =	vshrl.u32 v3, $0x3  }
0x159: {  	v4 =	vmul.u32 $0x48, v59  }
0x15a: {  	v3 =	vand.u32 $0x7, v3  }
0x15b: {  	v3 =	vor.u32 v3, v4  }
0x15c: {  	v4 =	vperm.xlane v3, v0;
	_ =	sdelay $0x1  }
0x15d: {  	v4 =	vadd.s32 v1, v4;
	_ =	sdelay $0x4  }
0x15e: {  	[tilespmem:s22], [sflag:$0x3] =	stream.indirect_vreg.gather [hbm4b:s2+s3], $0x80, v4, vm0, $0xb8;
	[tilespmem:$0x1B100] =	vst v63  }
0x15f: {  	_ = 	snop  }
0x160: {  	[tilespmem:s23], [sflag:$0x3] =	stream.indirect_vreg.gather [hbm4b:s4+s3], $0x80, v4, vm0, $0xb8;
	[tilespmem:$0x1B100] =	vst v63  }
0x161: {  	v3 =	vperm.xlane v3, v2  }
0x162: {  	[tilespmem:s24], [sflag:$0x3] =	stream.indirect_vreg.gather [hbm4b:s5+s3], $0x80, v4, vm0, $0xb8;
	[tilespmem:$0x1B100] =	vst v63  }
0x163: {  	v3 =	vadd.s32 v1, v3  }
0x164: {  	[tilespmem:s25], [sflag:$0x3] =	stream.indirect_vreg.gather [hbm4b:s6+s3], $0x80, v4, vm0, $0xb8;
	[tilespmem:$0x1B100] =	vst v63  }
0x165: {  	_ = 	snop  }
0x166: {  	[tilespmem:s26], [sflag:$0x3] =	stream.indirect_vreg.gather [hbm4b:s7+s3], $0x80, v4, vm1, $0xb8;
	[tilespmem:$0x1B100] =	vst v63  }
0x167: {  	_ = 	snop  }
0x168: {  	[tilespmem:s28], [sflag:$0x3] =	stream.indirect_vreg.gather [hbm4b:s2+s3], $0x80, v3, vm0, $0xb8;
	[tilespmem:$0x1B100] =	vst v63  }
0x169: {  	s12 =	simm.s32 $0x19500  }
0x16a: {  	[tilespmem:s12], [sflag:$0x3] =	stream.indirect_vreg.gather [hbm4b:s4+s3], $0x80, v3, vm0, $0xb8;
	[tilespmem:$0x1B100] =	vst v63  }
0x16b: {  	s12 =	simm.s32 $0x19D00  }
0x16c: {  	[tilespmem:s12], [sflag:$0x3] =	stream.indirect_vreg.gather [hbm4b:s5+s3], $0x80, v3, vm0, $0xb8;
	[tilespmem:$0x1B100] =	vst v63  }
0x16d: {  	s12 =	simm.s32 $0x1A500  }
0x16e: {  	[tilespmem:s12], [sflag:$0x3] =	stream.indirect_vreg.gather [hbm4b:s6+s3], $0x80, v3, vm0, $0xb8;
	[tilespmem:$0x1B100] =	vst v63  }
0x16f: {  	s12 =	simm.s32 $0x1AD00  }
0x170: {  	[tilespmem:s12], [sflag:$0x3] =	stream.indirect_vreg.gather [hbm4b:s7+s3], $0x80, v3, vm1, $0xb8;
	[tilespmem:$0x1B100] =	vst v63  }
0x171: {  	_ =	swait.ge [sflag:s13], $0x9000  }
0x172: {  	[sflag:s13] =	ssyncset.done $0x0  }
0x173: {  	s11 =	rddreg [dreg:$0x8];
	[sflag:s13] =	ssyncadd.s32 $0xFFFF7000  }
0x174: {  	[hbm4b:s11+s3] =	stream.linear.scatter [tilespmem:s31], [sflag:$0x4], $0x9000, $0x38;
	[tilespmem:$0x1B100] =	vst v63  }
0x175: {  	_ =	swait.ge [sflag:s30], $0x9000  }
0x176: {  	[sflag:s30] =	ssyncset.done $0x0  }
0x177: {  	[sflag:s30] =	ssyncadd.s32 $0xFFFF7000  }
0x178: {  	v3 =	vld [tilespmem:$0xC0];
	_ =	sdelay $0x4  }
0x179: {  	v60 =	vshrl.u32 v3, $0x3  }
0x17a: {  	v4 =	vmul.u32 $0x48, v60  }
0x17b: {  	v3 =	vand.u32 $0x7, v3  }
0x17c: {  	v3 =	vor.u32 v3, v4  }
0x17d: {  	v4 =	vperm.xlane v3, v0;
	_ =	sdelay $0x1  }
0x17e: {  	v4 =	vadd.s32 v1, v4;
	_ =	sdelay $0x4  }
0x17f: {  	[tilespmem:s31], [sflag:$0x1] =	stream.indirect_vreg.gather [hbm4b:s2+s3], $0x80, v4, vm0, $0xb8;
	[tilespmem:$0x1B100] =	vst v63  }
0x180: {  	s12 =	simm.s32 $0x900  }
0x181: {  	[tilespmem:s12], [sflag:$0x1] =	stream.indirect_vreg.gather [hbm4b:s4+s3], $0x80, v4, vm0, $0xb8;
	[tilespmem:$0x1B100] =	vst v63  }
0x182: {  	v3 =	vperm.xlane v3, v2;
	s12 =	simm.s32 $0x1100  }
0x183: {  	[tilespmem:s12], [sflag:$0x1] =	stream.indirect_vreg.gather [hbm4b:s5+s3], $0x80, v4, vm0, $0xb8;
	[tilespmem:$0x1B100] =	vst v63  }
0x184: {  	v3 =	vadd.s32 v1, v3;
	s12 =	simm.s32 $0x1900  }
0x185: {  	[tilespmem:s12], [sflag:$0x1] =	stream.indirect_vreg.gather [hbm4b:s6+s3], $0x80, v4, vm0, $0xb8;
	[tilespmem:$0x1B100] =	vst v63  }
0x186: {  	s12 =	simm.s32 $0x2100  }
0x187: {  	[tilespmem:s12], [sflag:$0x1] =	stream.indirect_vreg.gather [hbm4b:s7+s3], $0x80, v4, vm1, $0xb8;
	[tilespmem:$0x1B100] =	vst v63  }
0x188: {  	s12 =	simm.s32 $0x2500  }
0x189: {  	[tilespmem:s12], [sflag:$0x1] =	stream.indirect_vreg.gather [hbm4b:s2+s3], $0x80, v3, vm0, $0xb8;
	[tilespmem:$0x1B100] =	vst v63  }
0x18a: {  	s12 =	simm.s32 $0x2D00  }
0x18b: {  	[tilespmem:s12], [sflag:$0x1] =	stream.indirect_vreg.gather [hbm4b:s4+s3], $0x80, v3, vm0, $0xb8;
	[tilespmem:$0x1B100] =	vst v63  }
0x18c: {  	s12 =	simm.s32 $0x3500  }
0x18d: {  	[tilespmem:s12], [sflag:$0x1] =	stream.indirect_vreg.gather [hbm4b:s5+s3], $0x80, v3, vm0, $0xb8;
	[tilespmem:$0x1B100] =	vst v63  }
0x18e: {  	s12 =	simm.s32 $0x3D00  }
0x18f: {  	[tilespmem:s12], [sflag:$0x1] =	stream.indirect_vreg.gather [hbm4b:s6+s3], $0x80, v3, vm0, $0xb8;
	[tilespmem:$0x1B100] =	vst v63  }
0x190: {  	s12 =	simm.s32 $0x4500  }
0x191: {  	[tilespmem:s12], [sflag:$0x1] =	stream.indirect_vreg.gather [hbm4b:s7+s3], $0x80, v3, vm1, $0xb8;
	[tilespmem:$0x1B100] =	vst v63  }
0x192: {  	v3 =	vld [tilespmem:$0xD0];
	_ =	sdelay $0x4  }
0x193: {  	v61 =	vshrl.u32 v3, $0x3  }
0x194: {  	v4 =	vmul.u32 $0x48, v61  }
0x195: {  	v3 =	vand.u32 $0x7, v3  }
0x196: {  	v3 =	vor.u32 v3, v4  }
0x197: {  	v4 =	vperm.xlane v3, v0;
	_ =	sdelay $0x1  }
0x198: {  	v4 =	vadd.s32 v1, v4;
	_ =	sdelay $0x3  }
0x199: {  	s12 =	simm.s32 $0x4900  }
0x19a: {  	[tilespmem:s12], [sflag:$0x1] =	stream.indirect_vreg.gather [hbm4b:s2+s3], $0x80, v4, vm0, $0xb8;
	[tilespmem:$0x1B100] =	vst v63  }
0x19b: {  	s12 =	simm.s32 $0x5100  }
0x19c: {  	[tilespmem:s12], [sflag:$0x1] =	stream.indirect_vreg.gather [hbm4b:s4+s3], $0x80, v4, vm0, $0xb8;
	[tilespmem:$0x1B100] =	vst v63  }
0x19d: {  	v3 =	vperm.xlane v3, v2;
	s12 =	simm.s32 $0x5900  }
0x19e: {  	[tilespmem:s12], [sflag:$0x1] =	stream.indirect_vreg.gather [hbm4b:s5+s3], $0x80, v4, vm0, $0xb8;
	[tilespmem:$0x1B100] =	vst v63  }
0x19f: {  	v3 =	vadd.s32 v1, v3;
	s12 =	simm.s32 $0x6100  }
0x1a0: {  	[tilespmem:s12], [sflag:$0x1] =	stream.indirect_vreg.gather [hbm4b:s6+s3], $0x80, v4, vm0, $0xb8;
	[tilespmem:$0x1B100] =	vst v63  }
0x1a1: {  	s12 =	simm.s32 $0x6900  }
0x1a2: {  	[tilespmem:s12], [sflag:$0x1] =	stream.indirect_vreg.gather [hbm4b:s7+s3], $0x80, v4, vm1, $0xb8;
	[tilespmem:$0x1B100] =	vst v63  }
0x1a3: {  	s12 =	simm.s32 $0x6D00  }
0x1a4: {  	[tilespmem:s12], [sflag:$0x1] =	stream.indirect_vreg.gather [hbm4b:s2+s3], $0x80, v3, vm0, $0xb8;
	[tilespmem:$0x1B100] =	vst v63  }
0x1a5: {  	s12 =	simm.s32 $0x7500  }
0x1a6: {  	[tilespmem:s12], [sflag:$0x1] =	stream.indirect_vreg.gather [hbm4b:s4+s3], $0x80, v3, vm0, $0xb8;
	[tilespmem:$0x1B100] =	vst v63  }
0x1a7: {  	s12 =	simm.s32 $0x7D00  }
0x1a8: {  	[tilespmem:s12], [sflag:$0x1] =	stream.indirect_vreg.gather [hbm4b:s5+s3], $0x80, v3, vm0, $0xb8;
	[tilespmem:$0x1B100] =	vst v63  }
0x1a9: {  	s12 =	simm.s32 $0x8500  }
0x1aa: {  	[tilespmem:s12], [sflag:$0x1] =	stream.indirect_vreg.gather [hbm4b:s6+s3], $0x80, v3, vm0, $0xb8;
	[tilespmem:$0x1B100] =	vst v63  }
0x1ab: {  	s12 =	simm.s32 $0x8D00  }
0x1ac: {  	[tilespmem:s12], [sflag:$0x1] =	stream.indirect_vreg.gather [hbm4b:s7+s3], $0x80, v3, vm1, $0xb8;
	[tilespmem:$0x1B100] =	vst v63  }
0x1ad: {  	_ =	swait.ge [sflag:s1], $0x9000  }
0x1ae: {  	[sflag:s1] =	ssyncset.done $0x0  }
0x1af: {  	s11 =	rddreg [dreg:$0x9];
	[sflag:s1] =	ssyncadd.s32 $0xFFFF7000  }
0x1b0: {  	[hbm4b:s11+s3] =	stream.linear.scatter [tilespmem:s9], [sflag:$0x5], $0x9000, $0x38;
	[tilespmem:$0x1B100] =	vst v63  }
0x1b1: {  	_ =	swait.ge [sflag:s0], $0x9000  }
0x1b2: {  	[sflag:s0] =	ssyncset.done $0x0  }
0x1b3: {  	[sflag:s0] =	ssyncadd.s32 $0xFFFF7000  }
0x1b4: {  	v3 =	vld [tilespmem:$0xE0];
	_ =	sdelay $0x4  }
0x1b5: {  	v62 =	vshrl.u32 v3, $0x3  }
0x1b6: {  	v4 =	vmul.u32 $0x48, v62  }
0x1b7: {  	v3 =	vand.u32 $0x7, v3  }
0x1b8: {  	v3 =	vor.u32 v3, v4  }
0x1b9: {  	v4 =	vperm.xlane v3, v0;
	_ =	sdelay $0x1  }
0x1ba: {  	v4 =	vadd.s32 v1, v4;
	_ =	sdelay $0x4  }
0x1bb: {  	[tilespmem:s9], [sflag:$0x2] =	stream.indirect_vreg.gather [hbm4b:s2+s3], $0x80, v4, vm0, $0xb8;
	[tilespmem:$0x1B100] =	vst v63  }
0x1bc: {  	s12 =	simm.s32 $0x9900  }
0x1bd: {  	[tilespmem:s12], [sflag:$0x2] =	stream.indirect_vreg.gather [hbm4b:s4+s3], $0x80, v4, vm0, $0xb8;
	[tilespmem:$0x1B100] =	vst v63  }
0x1be: {  	v3 =	vperm.xlane v3, v2;
	s12 =	simm.s32 $0xA100  }
0x1bf: {  	[tilespmem:s12], [sflag:$0x2] =	stream.indirect_vreg.gather [hbm4b:s5+s3], $0x80, v4, vm0, $0xb8;
	[tilespmem:$0x1B100] =	vst v63  }
0x1c0: {  	v3 =	vadd.s32 v1, v3;
	s12 =	simm.s32 $0xA900  }
0x1c1: {  	[tilespmem:s12], [sflag:$0x2] =	stream.indirect_vreg.gather [hbm4b:s6+s3], $0x80, v4, vm0, $0xb8;
	[tilespmem:$0x1B100] =	vst v63  }
0x1c2: {  	s12 =	simm.s32 $0xB100  }
0x1c3: {  	[tilespmem:s12], [sflag:$0x2] =	stream.indirect_vreg.gather [hbm4b:s7+s3], $0x80, v4, vm1, $0xb8;
	[tilespmem:$0x1B100] =	vst v63  }
0x1c4: {  	s12 =	simm.s32 $0xB500  }
0x1c5: {  	[tilespmem:s12], [sflag:$0x2] =	stream.indirect_vreg.gather [hbm4b:s2+s3], $0x80, v3, vm0, $0xb8;
	[tilespmem:$0x1B100] =	vst v63  }
0x1c6: {  	s12 =	simm.s32 $0xBD00  }
0x1c7: {  	[tilespmem:s12], [sflag:$0x2] =	stream.indirect_vreg.gather [hbm4b:s4+s3], $0x80, v3, vm0, $0xb8;
	[tilespmem:$0x1B100] =	vst v63  }
0x1c8: {  	s12 =	simm.s32 $0xC500  }
0x1c9: {  	[tilespmem:s12], [sflag:$0x2] =	stream.indirect_vreg.gather [hbm4b:s5+s3], $0x80, v3, vm0, $0xb8;
	[tilespmem:$0x1B100] =	vst v63  }
0x1ca: {  	s12 =	simm.s32 $0xCD00  }
0x1cb: {  	[tilespmem:s12], [sflag:$0x2] =	stream.indirect_vreg.gather [hbm4b:s6+s3], $0x80, v3, vm0, $0xb8;
	[tilespmem:$0x1B100] =	vst v63  }
0x1cc: {  	s12 =	simm.s32 $0xD500  }
0x1cd: {  	[tilespmem:s12], [sflag:$0x2] =	stream.indirect_vreg.gather [hbm4b:s7+s3], $0x80, v3, vm1, $0xb8;
	[tilespmem:$0x1B100] =	vst v63  }
0x1ce: {  	v3 =	vld [tilespmem:$0xF0];
	_ =	sdelay $0x4  }
0x1cf: {  	v63 =	vshrl.u32 v3, $0x3  }
0x1d0: {  	v4 =	vmul.u32 $0x48, v63  }
0x1d1: {  	v3 =	vand.u32 $0x7, v3  }
0x1d2: {  	v3 =	vor.u32 v3, v4  }
0x1d3: {  	v4 =	vperm.xlane v3, v0;
	_ =	sdelay $0x1  }
0x1d4: {  	v4 =	vadd.s32 v1, v4;
	_ =	sdelay $0x3  }
0x1d5: {  	s12 =	simm.s32 $0xD900  }
0x1d6: {  	[tilespmem:s12], [sflag:$0x2] =	stream.indirect_vreg.gather [hbm4b:s2+s3], $0x80, v4, vm0, $0xb8;
	[tilespmem:$0x1B100] =	vst v63  }
0x1d7: {  	s12 =	simm.s32 $0xE100  }
0x1d8: {  	[tilespmem:s12], [sflag:$0x2] =	stream.indirect_vreg.gather [hbm4b:s4+s3], $0x80, v4, vm0, $0xb8;
	[tilespmem:$0x1B100] =	vst v63  }
0x1d9: {  	v3 =	vperm.xlane v3, v2;
	s12 =	simm.s32 $0xE900  }
0x1da: {  	[tilespmem:s12], [sflag:$0x2] =	stream.indirect_vreg.gather [hbm4b:s5+s3], $0x80, v4, vm0, $0xb8;
	[tilespmem:$0x1B100] =	vst v63  }
0x1db: {  	v3 =	vadd.s32 v1, v3;
	s12 =	simm.s32 $0xF100  }
0x1dc: {  	[tilespmem:s12], [sflag:$0x2] =	stream.indirect_vreg.gather [hbm4b:s6+s3], $0x80, v4, vm0, $0xb8;
	[tilespmem:$0x1B100] =	vst v63  }
0x1dd: {  	s12 =	simm.s32 $0xF900  }
0x1de: {  	[tilespmem:s12], [sflag:$0x2] =	stream.indirect_vreg.gather [hbm4b:s7+s3], $0x80, v4, vm1, $0xb8;
	[tilespmem:$0x1B100] =	vst v63  }
0x1df: {  	s12 =	simm.s32 $0xFD00  }
0x1e0: {  	[tilespmem:s12], [sflag:$0x2] =	stream.indirect_vreg.gather [hbm4b:s2+s3], $0x80, v3, vm0, $0xb8;
	[tilespmem:$0x1B100] =	vst v63  }
0x1e1: {  	s12 =	simm.s32 $0x10500  }
0x1e2: {  	[tilespmem:s12], [sflag:$0x2] =	stream.indirect_vreg.gather [hbm4b:s4+s3], $0x80, v3, vm0, $0xb8;
	[tilespmem:$0x1B100] =	vst v63  }
0x1e3: {  	s12 =	simm.s32 $0x10D00  }
0x1e4: {  	[tilespmem:s12], [sflag:$0x2] =	stream.indirect_vreg.gather [hbm4b:s5+s3], $0x80, v3, vm0, $0xb8;
	[tilespmem:$0x1B100] =	vst v63  }
0x1e5: {  	s12 =	simm.s32 $0x11500  }
0x1e6: {  	[tilespmem:s12], [sflag:$0x2] =	stream.indirect_vreg.gather [hbm4b:s6+s3], $0x80, v3, vm0, $0xb8;
	[tilespmem:$0x1B100] =	vst v63  }
0x1e7: {  	s12 =	simm.s32 $0x11D00  }
0x1e8: {  	[tilespmem:s12], [sflag:$0x2] =	stream.indirect_vreg.gather [hbm4b:s7+s3], $0x80, v3, vm1, $0xb8;
	[tilespmem:$0x1B100] =	vst v63  }
0x1e9: {  	_ =	swait.ge [sflag:s29], $0x9000  }
0x1ea: {  	[sflag:s29] =	ssyncset.done $0x0  }
0x1eb: {  	s11 =	rddreg [dreg:$0xa];
	[sflag:s29] =	ssyncadd.s32 $0xFFFF7000;
	s29 =	simm.s32 $0x12100  }
0x1ec: {  	[hbm4b:s11+s3] =	stream.linear.scatter [tilespmem:s29], [sflag:$0x6], $0x9000, $0x38;
	[tilespmem:$0x1B100] =	vst v63  }
0x1ed: {  	_ =	swait.ge [sflag:s13], $0x9000  }
0x1ee: {  	[sflag:s13] =	ssyncset.done $0x0  }
0x1ef: {  	s11 =	rddreg [dreg:$0xb];
	[sflag:s13] =	ssyncadd.s32 $0xFFFF7000  }
0x1f0: {  	[hbm4b:s11+s3] =	stream.linear.scatter [tilespmem:s31], [sflag:$0x4], $0x9000, $0x38;
	[tilespmem:$0x1B100] =	vst v63  }
0x1f1: {  	_ =	swait.ge [sflag:s1], $0x9000  }
0x1f2: {  	[sflag:s1] =	ssyncset.done $0x0  }
0x1f3: {  	s29 =	rddreg [dreg:$0xc];
	[sflag:s1] =	ssyncadd.s32 $0xFFFF7000  }
0x1f4: {  	[hbm4b:s29+s3] =	stream.linear.scatter [tilespmem:s9], [sflag:$0x5], $0x9000, $0x38;
	[tilespmem:$0x1B100] =	vst v63  }
0x1f5: {  	_ =	swait.ge [sflag:s10], $0x9000  }
0x1f6: {  	[sflag:s10] =	ssyncset.done $0x0  }
0x1f7: {  	[sflag:s10] =	ssyncadd.s32 $0xFFFF7000  }
0x1f8: {  	p0 =	sne.s32 s8, $0x1;
	_ =	swait.ge [sflag:s30], $0x9000  }
.Ltmp0:
0x1f9: {  	[sflag:s30] =	ssyncset.done $0x0;
	(pc) =	sbr.rel @p0 .LBB2_1-.Ltmp0, $4  }
0x1fa: {  	[sflag:s30] =	ssyncadd.s32 $0xFFFF7000  }
0x1fb: {  	_ =	swait.ge [sflag:s0], $0x9000  }
0x1fc: {  	[sflag:s0] =	ssyncset.done $0x0  }
0x1fd: {  	s8 =	sadd.s32 $0xFFFFFFFF, s8;
	[sflag:s0] =	ssyncadd.s32 $0xFFFF7000  }
0x1fe: {  	_ =	sfence.sel $0x180000  }
0x1ff: {  	[bflag:$0x0] =	sbarrier.arrive $0xFFFF  }
0x200: {  	_ =	strace $0x90000047  }
0x201: {  	s0 =	stileid.u32;
	[bflag:$0x2] =	sbarrier.arrive $0xFFFF  }
0x202: {  	p0 =	sne.s32 s0, $0x0;
	s0 =	rddreg [dreg:$0x3]  }
0x203: {  	s0 =	sadd.s32 @!p0 $0x100000, s0  }
0x204: {  	[sflag:s0] =	ssyncadd.tile.s32 @!p0 $0x1;
	_ =	shalt  }
.Lfunc_end2:
_tile_overlayer_lowered:
.L_overlay_start_2:
0x205: {  	(tag) =	ssettag $0x2  }
0x206: {  	s0 =	rddreg [dreg:$0x0];
	s2 =	stileid.u32  }
0x207: {  	s1 =	rddreg [dreg:$0x1];
	p0 =	sne.s32 s2, $0x0  }
0x208: {  	s3 =	rddreg [dreg:$0x2];
	[bflag:$0x3] =	sbarrier.arrive $0xFFFF;
	s2 =	simm.s32 @!p0 $0x1C07  }
0x209: {  	[timem:s3], [sflag:s2] =	dma.local @!p0 [hbm:s0], s1  }
0x20a: {  	s0 =	simm.s32 @!p0 $0x7  }
0x20b: {  	_ =	swait.ge @!p0 [sflag:s0], s1  }
0x20c: {  	s1 =	ssub.s32 @!p0 $0x0, s1;
	[sflag:s0] =	ssyncset.done @!p0 $0x0  }
0x20d: {  	[sflag:s0] =	ssyncadd.s32 @!p0 s1  }
0x20e: {  	[bflag:$0x3] =	sbarrier.arrive $0xFFFF  }
0x20f: {  	_ =	shalt  }

</sc_bundles>
